<compile_context>
chip_gen: v7x
topology: tpu7x:2x2x1
jax: 0.10.2.dev20260603
libtpu: 0.0.44.dev20260713+nightly
codegen_flags: <defaults>
</compile_context>

<pallas_src>
import functools

import jax
import jax.numpy as jnp
from jax import lax
from jax.experimental import pallas as pl
from jax.experimental.pallas import tpu as pltpu
from jax.experimental.pallas import tpu_sc as plsc

N = 10000
E = 320000
D_IN = 128
HIDDEN = 64
EMB = 2
NUM_GRAPHS = 16

NUM_CORES = 2
NUM_SUBCORES = 16
NUM_WORKERS = NUM_CORES * NUM_SUBCORES
EDGES_PER_TILE = E // NUM_WORKERS
CHUNK = 125
NCHUNK = EDGES_PER_TILE // CHUNK
N_PAD = 10240
ROWS_PER_TILE = N_PAD // NUM_SUBCORES
ZCHUNK = 128

f32 = jnp.float32


def _sc_fill(buf, nrows, d, val):
  @pl.loop(0, nrows)
  def _(i):
    @pl.loop(0, d, step=16)
    def _(j):
      buf[i, pl.ds(j, 16)] = jnp.full((16,), val, f32)


NBUF = 4
_SC_MESH = plsc.VectorSubcoreMesh(core_axis_name="c", subcore_axis_name="s")
_SC_PARAMS = pltpu.CompilerParams(use_tc_tiling_on_sc=False)


def _zero_acc(acc, zbuf, d, s):
  _sc_fill(zbuf, ZCHUNK, d, 0.0)

  @pl.loop(0, ROWS_PER_TILE, step=ZCHUNK)
  def _(r):
    pltpu.sync_copy(zbuf, acc.at[pl.ds(s * ROWS_PER_TILE + r, ZCHUNK)])


def _copy_out(acc, out_hbm, c, s):
  pltpu.sync_copy(
      acc.at[pl.ds(s * ROWS_PER_TILE, ROWS_PER_TILE)],
      out_hbm.at[c, pl.ds(s * ROWS_PER_TILE, ROWS_PER_TILE)],
  )


def _sc_deg(dst):
  d = 8

  def body(dst_hbm, out_hbm, dstv, zbuf, acc, ones):
    c = lax.axis_index("c")
    s = lax.axis_index("s")
    w = c * NUM_SUBCORES + s
    pltpu.sync_copy(dst_hbm.at[w], dstv)
    _zero_acc(acc, zbuf, d, s)
    plsc.subcore_barrier()
    _sc_fill(ones, CHUNK, d, 1.0)

    @pl.loop(0, NCHUNK)
    def _(j):
      pltpu.sync_copy(ones, acc.at[dstv.at[j]], add=True)

    plsc.subcore_barrier()
    _copy_out(acc, out_hbm, c, s)

  return pl.kernel(
      body,
      out_type=jax.ShapeDtypeStruct((NUM_CORES, N_PAD, d), f32),
      mesh=_SC_MESH,
      scratch_types=[
          pltpu.VMEM((NCHUNK, CHUNK), jnp.int32),
          pltpu.VMEM((ZCHUNK, d), f32),
          pltpu.VMEM_SHARED((N_PAD, d), f32),
          pltpu.VMEM((CHUNK, d), f32),
      ],
      compiler_params=_SC_PARAMS,
  )(dst)


def _sc_dual_scatter(g1, t16, src, dst):

  def body(g_hbm, t_hbm, src_hbm, dst_hbm, s1_hbm, c_hbm,
           srcv, dstv, zb64, zb16, acc64, acc16, *bufs):
    rows64 = bufs[0:NBUF]
    rows16 = bufs[NBUF:2 * NBUF]
    semsA = bufs[2 * NBUF:3 * NBUF]
    semsB = bufs[3 * NBUF:4 * NBUF]
    c = lax.axis_index("c")
    s = lax.axis_index("s")
    w = c * NUM_SUBCORES + s
    pltpu.sync_copy(src_hbm.at[w], srcv)
    pltpu.sync_copy(dst_hbm.at[w], dstv)
    _zero_acc(acc64, zb64, HIDDEN, s)
    _zero_acc(acc16, zb16, 16, s)
    plsc.subcore_barrier()

    for b in range(NBUF - 1):
      pltpu.async_copy(g_hbm.at[srcv.at[b]], rows64[b], semsA[b])
      pltpu.async_copy(t_hbm.at[dstv.at[b]], rows16[b], semsB[b])

    @pl.loop(0, NCHUNK, step=NBUF)
    def _(j):
      for b in range(NBUF):
        nxt = j + b + (NBUF - 1)
        nb = (b + NBUF - 1) % NBUF

        @pl.when(nxt < NCHUNK)
        def _():
          pltpu.async_copy(g_hbm.at[srcv.at[nxt]], rows64[nb], semsA[nb])
          pltpu.async_copy(t_hbm.at[dstv.at[nxt]], rows16[nb], semsB[nb])

        pltpu.make_async_copy(g_hbm.at[srcv.at[j + b]], rows64[b],
                              semsA[b]).wait()
        pltpu.sync_copy(rows64[b], acc64.at[dstv.at[j + b]], add=True)
        pltpu.make_async_copy(t_hbm.at[dstv.at[j + b]], rows16[b],
                              semsB[b]).wait()
        pltpu.sync_copy(rows16[b], acc16.at[srcv.at[j + b]], add=True)

    plsc.subcore_barrier()
    _copy_out(acc64, s1_hbm, c, s)
    _copy_out(acc16, c_hbm, c, s)

  return pl.kernel(
      body,
      out_type=(jax.ShapeDtypeStruct((NUM_CORES, N_PAD, HIDDEN), f32),
                jax.ShapeDtypeStruct((NUM_CORES, N_PAD, 16), f32)),
      mesh=_SC_MESH,
      scratch_types=(
          [pltpu.VMEM((NCHUNK, CHUNK), jnp.int32),
           pltpu.VMEM((NCHUNK, CHUNK), jnp.int32),
           pltpu.VMEM((ZCHUNK, HIDDEN), f32),
           pltpu.VMEM((ZCHUNK, 16), f32),
           pltpu.VMEM_SHARED((N_PAD, HIDDEN), f32),
           pltpu.VMEM_SHARED((N_PAD, 16), f32)]
          + [pltpu.VMEM((CHUNK, HIDDEN), f32) for _ in range(NBUF)]
          + [pltpu.VMEM((CHUNK, 16), f32) for _ in range(NBUF)]
          + [pltpu.SemaphoreType.DMA for _ in range(2 * NBUF)]),
      compiler_params=_SC_PARAMS,
  )(g1, t16, src, dst)


def _tc_a_body(x_ref, w1_ref, dega_ref, degb_ref, batc_ref,
               o_h1_ref, o_g1_ref, o_dinv_ref, o_t_ref):
  h1 = jnp.dot(x_ref[...], w1_ref[...], preferred_element_type=f32)
  deg = dega_ref[...][:, 0:1] + degb_ref[...][:, 0:1] + 1.0
  dinv = lax.rsqrt(deg)
  bm = batc_ref.shape[0]
  gids = lax.broadcasted_iota(jnp.int32, (bm, NUM_GRAPHS), 1)
  onehot = (batc_ref[...] == gids).astype(f32)
  o_h1_ref[...] = h1
  o_dinv_ref[...] = dinv
  o_g1_ref[...] = h1 * dinv
  o_t_ref[...] = onehot * dinv


def _tc_c_body(s1a_ref, s1b_ref, ca_ref, cb_ref, h1_ref, dinv_ref, t_ref,
               batt_ref, b1_ref, w2p_ref, b2p_ref, o_ref):
  dinv = dinv_ref[...]
  s1 = (s1a_ref[...] + s1b_ref[...])[:N]
  out1 = dinv * s1 + (dinv * dinv) * h1_ref[...] + b1_ref[...]
  rp = dinv * jnp.maximum(out1, 0.0)
  cpt = (ca_ref[...] + cb_ref[...])[:N] + t_ref[...]
  m = lax.dot_general(cpt, rp, (((0,), (0,)), ((), ())),
                      preferred_element_type=f32)
  gids = lax.broadcasted_iota(jnp.int32, (NUM_GRAPHS, N), 0)
  onehot = (batt_ref[...] == gids).astype(f32)
  counts = jnp.dot(onehot, jnp.ones((N, 1), f32), preferred_element_type=f32)
  pooled = jnp.dot(m, w2p_ref[...], preferred_element_type=f32)
  o_ref[...] = (pooled + counts * b2p_ref[...]) / jnp.maximum(counts, 1.0)


def kernel(x, edge_index, batch, W1, b1, W2, b2):
  x = x.astype(f32)
  ei = edge_index.astype(jnp.int32)
  src = ei[0].reshape(NUM_WORKERS, NCHUNK, CHUNK)
  dst = ei[1].reshape(NUM_WORKERS, NCHUNK, CHUNK)
  bati = batch.astype(jnp.int32)
  batc = bati.reshape(N, 1)
  batt = bati.reshape(1, N)
  b1r = b1.reshape(1, HIDDEN)
  w2p = jnp.pad(W2, ((0, 0), (0, 16 - EMB)))
  b2p = jnp.pad(b2, (0, 16 - EMB)).reshape(1, 16)

  degp = _sc_deg(dst)

  bm = 1000
  h1, g1, dinv, t16 = pl.pallas_call(
      _tc_a_body,
      grid=(N // bm,),
      in_specs=[
          pl.BlockSpec((bm, D_IN), lambda i: (i, 0)),
          pl.BlockSpec((D_IN, HIDDEN), lambda i: (0, 0)),
          pl.BlockSpec((bm, 8), lambda i: (i, 0)),
          pl.BlockSpec((bm, 8), lambda i: (i, 0)),
          pl.BlockSpec((bm, 1), lambda i: (i, 0)),
      ],
      out_specs=[
          pl.BlockSpec((bm, HIDDEN), lambda i: (i, 0)),
          pl.BlockSpec((bm, HIDDEN), lambda i: (i, 0)),
          pl.BlockSpec((bm, 1), lambda i: (i, 0)),
          pl.BlockSpec((bm, 16), lambda i: (i, 0)),
      ],
      out_shape=(
          jax.ShapeDtypeStruct((N, HIDDEN), f32),
          jax.ShapeDtypeStruct((N, HIDDEN), f32),
          jax.ShapeDtypeStruct((N, 1), f32),
          jax.ShapeDtypeStruct((N, 16), f32),
      ),
  )(x, W1, degp[0], degp[1], batc)

  s1p, cp = _sc_dual_scatter(g1, t16, src, dst)

  out16 = pl.pallas_call(
      _tc_c_body,
      out_shape=jax.ShapeDtypeStruct((NUM_GRAPHS, 16), f32),
  )(s1p[0], s1p[1], cp[0], cp[1], h1, dinv, t16, batt, b1r, w2p, b2p)
  return out16[:, :EMB]

# --- scband reference (transcript-rebuilt; emitter-appended) ---
"""Pipeline reference for scband-gnnencoder-30021821399451 (READ-ONLY COPY).

The authoritative reference and input builder live on the scoring server;
editing this copy changes nothing except your own understanding.
"""

import jax, jax.numpy as jnp
import numpy as np

N = 10000
E = 320000
D_IN = 128
HIDDEN = 64
EMB = 2
NUM_GRAPHS = 16


def setup_inputs(seed: int = 0) -> dict:
    key = jax.random.key(seed)
    k1, k2, k3, k4, k5, k6, k7 = jax.random.split(key, 7)
    x = jax.random.normal(k1, (N, D_IN), dtype=jnp.float32)
    edge_index = jax.random.randint(k2, (2, E), 0, N, dtype=jnp.int64)
    batch = jnp.sort(jax.random.randint(k3, (N,), 0, NUM_GRAPHS, dtype=jnp.int64))
    # GCNConv parameters (glorot-ish init)
    W1 = jax.random.normal(k4, (D_IN, HIDDEN), dtype=jnp.float32) * (1.0 / np.sqrt(D_IN))
    b1 = jnp.zeros((HIDDEN,), dtype=jnp.float32)
    W2 = jax.random.normal(k5, (HIDDEN, EMB), dtype=jnp.float32) * (1.0 / np.sqrt(HIDDEN))
    b2 = jnp.zeros((EMB,), dtype=jnp.float32)
    return {"x": x, "edge_index": edge_index, "batch": batch, "W1": W1, "b1": b1, "W2": W2, "b2": b2}


def _gcn_conv(x, edge_index, W, b):
    n = x.shape[0]
    src = edge_index[0]
    dst = edge_index[1]
    # add self-loops (PyG GCNConv default)
    loop = jnp.arange(n, dtype=src.dtype)
    src = jnp.concatenate([src, loop])
    dst = jnp.concatenate([dst, loop])
    h = x @ W
    deg = jnp.zeros((n,), dtype=h.dtype).at[dst].add(1.0)
    dinv = jnp.where(deg > 0, jax.lax.rsqrt(deg), 0.0)
    norm = dinv[src] * dinv[dst]
    msg = h[src] * norm[:, None]
    out = jnp.zeros((n, W.shape[1]), dtype=h.dtype).at[dst].add(msg)
    return out + b


def _global_mean_pool(x, batch, num_graphs):
    sums = jax.ops.segment_sum(x, batch, num_segments=num_graphs)
    counts = jax.ops.segment_sum(jnp.ones((x.shape[0],), dtype=x.dtype), batch, num_segments=num_graphs)
    return sums / jnp.maximum(counts, 1.0)[:, None]


def reference(x, edge_index, batch, W1, b1, W2, b2):
    x = x.astype(jnp.float32)
    h = _gcn_conv(x, edge_index, W1, b1)
    h = jax.nn.relu(h)
    h = _gcn_conv(h, edge_index, W2, b2)
    out = _global_mean_pool(h, batch, NUM_GRAPHS)
    return out

if __name__ == "__main__":
    import jax
    _d = setup_inputs()
    print(jax.jit(kernel)(*tuple(_d.values())))

</pallas_src>

<mosaic_0001>
#map = affine_map<(d0, d1) -> (0, 0, 0)>
module attributes {stable_mosaic.version = 14 : i64} {
  func.func @body(%arg0: i32, %arg1: i32, %arg2: memref<32x80x125xi32, #tpu.memory_space<hbm>>, %arg3: memref<2x10240x8xf32, #tpu.memory_space<hbm>>, %arg4: memref<80x125xi32, #tpu.memory_space<vmem>>, %arg5: memref<128x8xf32, #tpu.memory_space<vmem>>, %arg6: memref<10240x8xf32, #tpu.memory_space<vmem_shared>>, %arg7: memref<125x8xf32, #tpu.memory_space<vmem>>) attributes {dimension_semantics = [#tpu.dimension_semantics<core_parallel>, #tpu.dimension_semantics<subcore_parallel>], iteration_bounds = array<i64: 2, 16>, scalar_prefetch = 0 : i64, scratch_operands = 4 : i64, tpu.core_type = #tpu.core_type<sc_vector_subcore>, window_params = [{transform_indices = #map}, {transform_indices = #map}]} {
    %mul3A = arith.constant 16 : i32
    %mul3A_0 = arith.muli %arg0, %mul3A : i32
    %add3A = arith.addi %mul3A_0, %arg1 : i32
    "tpu.region"() ({
      %run_scoped3A = tpu.sem_alloc : memref<!tpu.dma_semaphore, #tpu.memory_space<semaphore_mem>>
      %dma_start3A = arith.constant 0 : i32
      %dma_start3A_25 = arith.constant 0 : i32
      %dma_start3A_26 = tpu.memref_slice %arg2[%add3A, %dma_start3A, %dma_start3A_25] : memref<32x80x125xi32, #tpu.memory_space<hbm>> -> memref<1x80x125xi32, #tpu.memory_space<hbm>>
      %dma_start3A_27 = tpu.memref_squeeze %dma_start3A_26 : memref<1x80x125xi32, #tpu.memory_space<hbm>> -> memref<80x125xi32, #tpu.memory_space<hbm>>
      %dma_start3A_28 = arith.constant 0 : i32
      %dma_start3A_29 = arith.constant 0 : i32
      %dma_start3A_30 = tpu.memref_slice %arg2[%add3A, %dma_start3A_28, %dma_start3A_29] : memref<32x80x125xi32, #tpu.memory_space<hbm>> -> memref<1x80x125xi32, #tpu.memory_space<hbm>>
      %dma_start3A_31 = tpu.memref_squeeze %dma_start3A_30 : memref<1x80x125xi32, #tpu.memory_space<hbm>> -> memref<80x125xi32, #tpu.memory_space<hbm>>
      tpu.enqueue_dma source(%dma_start3A_31 : memref<80x125xi32, #tpu.memory_space<hbm>>) target(%arg4 : memref<80x125xi32, #tpu.memory_space<vmem>>) target_semaphore(%run_scoped3A : memref<!tpu.dma_semaphore, #tpu.memory_space<semaphore_mem>>)
      %dma_wait3A = arith.constant 0 : i32
      %dma_wait3A_32 = arith.constant 0 : i32
      %dma_wait3A_33 = tpu.memref_slice %arg2[%add3A, %dma_wait3A, %dma_wait3A_32] : memref<32x80x125xi32, #tpu.memory_space<hbm>> -> memref<1x80x125xi32, #tpu.memory_space<hbm>>
      %dma_wait3A_34 = tpu.memref_squeeze %dma_wait3A_33 : memref<1x80x125xi32, #tpu.memory_space<hbm>> -> memref<80x125xi32, #tpu.memory_space<hbm>>
      %dma_wait3A_35 = arith.constant 0 : i32
      %dma_wait3A_36 = arith.constant 0 : i32
      %dma_wait3A_37 = tpu.memref_slice %arg2[%add3A, %dma_wait3A_35, %dma_wait3A_36] : memref<32x80x125xi32, #tpu.memory_space<hbm>> -> memref<1x80x125xi32, #tpu.memory_space<hbm>>
      %dma_wait3A_38 = tpu.memref_squeeze %dma_wait3A_37 : memref<1x80x125xi32, #tpu.memory_space<hbm>> -> memref<80x125xi32, #tpu.memory_space<hbm>>
      tpu.wait_dma2 semaphore(%run_scoped3A : memref<!tpu.dma_semaphore, #tpu.memory_space<semaphore_mem>>) src(%dma_wait3A_38 : memref<80x125xi32, #tpu.memory_space<hbm>>) dst(%arg4 : memref<80x125xi32, #tpu.memory_space<vmem>>)
      tpu.yield
    }) : () -> ()
    %scan3A = arith.constant 0 : i32
    %scan3A_1 = arith.constant 128 : i32
    %scan3A_2 = arith.addi %scan3A, %scan3A_1 : i32
    %scan3A_3 = arith.constant 1 : i32
    scf.for %scan3A_25 = %scan3A to %scan3A_2 step %scan3A_3  : i32 {
      %mul3A_26 = arith.constant 1 : i32
      %mul3A_27 = arith.muli %scan3A_25, %mul3A_26 : i32
      %add3A_28 = arith.constant 0 : i32
      %add3A_29 = arith.addi %add3A_28, %mul3A_27 : i32
      %scan3A_30 = arith.constant 0 : i32
      %mul3A_31 = arith.constant 16 : i32
      %mul3A_32 = arith.muli %scan3A_30, %mul3A_31 : i32
      %add3A_33 = arith.constant 0 : i32
      %add3A_34 = arith.addi %add3A_33, %mul3A_32 : i32
      %broadcast_in_dim3A = arith.constant 0.000000e+00 : f32
      %broadcast_in_dim3A_35 = vector.broadcast %broadcast_in_dim3A : f32 to vector<16xf32>
      %swap3A = arith.index_cast %add3A_29 : i32 to index
      %swap3A_36 = arith.index_cast %add3A_34 : i32 to index
      %swap3A_37 = tpu.vector_load %arg5[%swap3A, %swap3A_36] {strides = array<i32>} : memref<128x8xf32, #tpu.memory_space<vmem>>, vector<1x16xf32>,
      %swap3A_38 = vector.shape_cast %swap3A_37 : vector<1x16xf32> to vector<16xf32>
      %swap3A_39 = vector.shape_cast %broadcast_in_dim3A_35 : vector<16xf32> to vector<1x16xf32>
      tpu.vector_store %arg5[%swap3A, %swap3A_36], %swap3A_39 {strides = array<i32>} : memref<128x8xf32, #tpu.memory_space<vmem>>, vector<1x16xf32>,
      %scan3A_40 = arith.constant 1 : i32
    }
    %scan3A_4 = arith.constant 128 : i32
    %scan3A_5 = arith.constant 0 : i32
    %scan3A_6 = arith.constant 5 : i32
    %scan3A_7 = arith.addi %scan3A_5, %scan3A_6 : i32
    %scan3A_8 = arith.constant 1 : i32
    scf.for %scan3A_25 = %scan3A_5 to %scan3A_7 step %scan3A_8  : i32 {
      %mul3A_26 = arith.constant 128 : i32
      %mul3A_27 = arith.muli %scan3A_25, %mul3A_26 : i32
      %add3A_28 = arith.constant 0 : i32
      %add3A_29 = arith.addi %add3A_28, %mul3A_27 : i32
      %mul3A_30 = arith.constant 640 : i32
      %mul3A_31 = arith.muli %arg1, %mul3A_30 : i32
      %add3A_32 = arith.addi %mul3A_31, %add3A_29 : i32
      "tpu.region"() ({
        %run_scoped3A = tpu.sem_alloc : memref<!tpu.dma_semaphore, #tpu.memory_space<semaphore_mem>>
        %dma_start3A = arith.constant 0 : i32
        %dma_start3A_33 = tpu.memref_slice %arg6[%add3A_32, %dma_start3A] : memref<10240x8xf32, #tpu.memory_space<vmem_shared>> -> memref<128x8xf32, #tpu.memory_space<vmem_shared>>
        %dma_start3A_34 = arith.constant 0 : i32
        %dma_start3A_35 = tpu.memref_slice %arg6[%add3A_32, %dma_start3A_34] : memref<10240x8xf32, #tpu.memory_space<vmem_shared>> -> memref<128x8xf32, #tpu.memory_space<vmem_shared>>
        tpu.enqueue_dma source(%arg5 : memref<128x8xf32, #tpu.memory_space<vmem>>) target(%dma_start3A_35 : memref<128x8xf32, #tpu.memory_space<vmem_shared>>) target_semaphore(%run_scoped3A : memref<!tpu.dma_semaphore, #tpu.memory_space<semaphore_mem>>)
        %dma_wait3A = arith.constant 0 : i32
        %dma_wait3A_36 = tpu.memref_slice %arg6[%add3A_32, %dma_wait3A] : memref<10240x8xf32, #tpu.memory_space<vmem_shared>> -> memref<128x8xf32, #tpu.memory_space<vmem_shared>>
        %dma_wait3A_37 = arith.constant 0 : i32
        %dma_wait3A_38 = tpu.memref_slice %arg6[%add3A_32, %dma_wait3A_37] : memref<10240x8xf32, #tpu.memory_space<vmem_shared>> -> memref<128x8xf32, #tpu.memory_space<vmem_shared>>
        tpu.wait_dma2 semaphore(%run_scoped3A : memref<!tpu.dma_semaphore, #tpu.memory_space<semaphore_mem>>) src(%arg5 : memref<128x8xf32, #tpu.memory_space<vmem>>) dst(%dma_wait3A_38 : memref<128x8xf32, #tpu.memory_space<vmem_shared>>)
        tpu.yield
      }) : () -> ()
    }
    %scan3A_9 = arith.constant 5 : i32
    %barrier3A = arith.constant 0 : index
    tpu.barrier barrier_id(%barrier3A)
    %scan3A_10 = arith.constant 0 : i32
    %scan3A_11 = arith.constant 125 : i32
    %scan3A_12 = arith.addi %scan3A_10, %scan3A_11 : i32
    %scan3A_13 = arith.constant 1 : i32
    scf.for %scan3A_25 = %scan3A_10 to %scan3A_12 step %scan3A_13  : i32 {
      %mul3A_26 = arith.constant 1 : i32
      %mul3A_27 = arith.muli %scan3A_25, %mul3A_26 : i32
      %add3A_28 = arith.constant 0 : i32
      %add3A_29 = arith.addi %add3A_28, %mul3A_27 : i32
      %scan3A_30 = arith.constant 0 : i32
      %mul3A_31 = arith.constant 16 : i32
      %mul3A_32 = arith.muli %scan3A_30, %mul3A_31 : i32
      %add3A_33 = arith.constant 0 : i32
      %add3A_34 = arith.addi %add3A_33, %mul3A_32 : i32
      %broadcast_in_dim3A = arith.constant 1.000000e+00 : f32
      %broadcast_in_dim3A_35 = vector.broadcast %broadcast_in_dim3A : f32 to vector<16xf32>
      %swap3A = arith.index_cast %add3A_29 : i32 to index
      %swap3A_36 = arith.index_cast %add3A_34 : i32 to index
      %swap3A_37 = tpu.vector_load %arg7[%swap3A, %swap3A_36] {strides = array<i32>} : memref<125x8xf32, #tpu.memory_space<vmem>>, vector<1x16xf32>,
      %swap3A_38 = vector.shape_cast %swap3A_37 : vector<1x16xf32> to vector<16xf32>
      %swap3A_39 = vector.shape_cast %broadcast_in_dim3A_35 : vector<16xf32> to vector<1x16xf32>
      tpu.vector_store %arg7[%swap3A, %swap3A_36], %swap3A_39 {strides = array<i32>} : memref<125x8xf32, #tpu.memory_space<vmem>>, vector<1x16xf32>,
      %scan3A_40 = arith.constant 1 : i32
    }
    %scan3A_14 = arith.constant 125 : i32
    %scan3A_15 = arith.constant 0 : i32
    %scan3A_16 = arith.constant 80 : i32
    %scan3A_17 = arith.addi %scan3A_15, %scan3A_16 : i32
    %scan3A_18 = arith.constant 1 : i32
    scf.for %scan3A_25 = %scan3A_15 to %scan3A_17 step %scan3A_18  : i32 {
      %mul3A_26 = arith.constant 1 : i32
      %mul3A_27 = arith.muli %scan3A_25, %mul3A_26 : i32
      %add3A_28 = arith.constant 0 : i32
      %add3A_29 = arith.addi %add3A_28, %mul3A_27 : i32
      "tpu.region"() ({
        %run_scoped3A = tpu.sem_alloc : memref<!tpu.dma_semaphore, #tpu.memory_space<semaphore_mem>>
        %dma_start3A = arith.constant 0 : i32
        %dma_start3A_30 = tpu.memref_slice %arg4[%add3A_29, %dma_start3A] : memref<80x125xi32, #tpu.memory_space<vmem>> -> memref<1x125xi32, #tpu.memory_space<vmem>>
        %dma_start3A_31 = tpu.memref_squeeze %dma_start3A_30 : memref<1x125xi32, #tpu.memory_space<vmem>> -> memref<125xi32, #tpu.memory_space<vmem>>
        %dma_start3A_32 = arith.constant 0 : i32
        %dma_start3A_33 = arith.constant 0 : i32
        %dma_start3A_34 = tpu.memref_slice %arg6[%dma_start3A_32, %dma_start3A_33] : memref<10240x8xf32, #tpu.memory_space<vmem_shared>> -> memref<10240x8xf32, #tpu.memory_space<vmem_shared>>
        tpu.enqueue_indirect_dma source(%arg7 : memref<125x8xf32, #tpu.memory_space<vmem>>) target(%dma_start3A_34 : memref<10240x8xf32, #tpu.memory_space<vmem_shared>>) offsets(%dma_start3A_31 : memref<125xi32, #tpu.memory_space<vmem>>) semaphore(%run_scoped3A : memref<!tpu.dma_semaphore, #tpu.memory_space<semaphore_mem>>) {add = true}
        %dma_wait3A = arith.constant 0 : i32
        %dma_wait3A_35 = tpu.memref_slice %arg4[%add3A_29, %dma_wait3A] : memref<80x125xi32, #tpu.memory_space<vmem>> -> memref<1x125xi32, #tpu.memory_space<vmem>>
        %dma_wait3A_36 = tpu.memref_squeeze %dma_wait3A_35 : memref<1x125xi32, #tpu.memory_space<vmem>> -> memref<125xi32, #tpu.memory_space<vmem>>
        %dma_wait3A_37 = arith.constant 0 : i32
        %dma_wait3A_38 = arith.constant 0 : i32
        %dma_wait3A_39 = tpu.memref_slice %arg6[%dma_wait3A_37, %dma_wait3A_38] : memref<10240x8xf32, #tpu.memory_space<vmem_shared>> -> memref<10240x8xf32, #tpu.memory_space<vmem_shared>>
        tpu.wait_indirect_dma semaphore(%run_scoped3A : memref<!tpu.dma_semaphore, #tpu.memory_space<semaphore_mem>>) src(%arg7 : memref<125x8xf32, #tpu.memory_space<vmem>>) dst(%dma_wait3A_39 : memref<10240x8xf32, #tpu.memory_space<vmem_shared>>)
        tpu.yield
      }) : () -> ()
    }
    %scan3A_19 = arith.constant 80 : i32
    %barrier3A_20 = arith.constant 0 : index
    tpu.barrier barrier_id(%barrier3A_20)
    %mul3A_21 = arith.constant 640 : i32
    %mul3A_22 = arith.muli %arg1, %mul3A_21 : i32
    %mul3A_23 = arith.constant 640 : i32
    %mul3A_24 = arith.muli %arg1, %mul3A_23 : i32
    "tpu.region"() ({
      %run_scoped3A = tpu.sem_alloc : memref<!tpu.dma_semaphore, #tpu.memory_space<semaphore_mem>>
      %dma_start3A = arith.constant 0 : i32
      %dma_start3A_25 = tpu.memref_slice %arg3[%arg0, %mul3A_24, %dma_start3A] : memref<2x10240x8xf32, #tpu.memory_space<hbm>> -> memref<1x640x8xf32, #tpu.memory_space<hbm>>
      %dma_start3A_26 = tpu.memref_squeeze %dma_start3A_25 : memref<1x640x8xf32, #tpu.memory_space<hbm>> -> memref<640x8xf32, #tpu.memory_space<hbm>>
      %dma_start3A_27 = arith.constant 0 : i32
      %dma_start3A_28 = tpu.memref_slice %arg6[%mul3A_22, %dma_start3A_27] : memref<10240x8xf32, #tpu.memory_space<vmem_shared>> -> memref<640x8xf32, #tpu.memory_space<vmem_shared>>
      tpu.enqueue_dma source(%dma_start3A_28 : memref<640x8xf32, #tpu.memory_space<vmem_shared>>) target(%dma_start3A_26 : memref<640x8xf32, #tpu.memory_space<hbm>>) target_semaphore(%run_scoped3A : memref<!tpu.dma_semaphore, #tpu.memory_space<semaphore_mem>>)
      %dma_wait3A = arith.constant 0 : i32
      %dma_wait3A_29 = tpu.memref_slice %arg3[%arg0, %mul3A_24, %dma_wait3A] : memref<2x10240x8xf32, #tpu.memory_space<hbm>> -> memref<1x640x8xf32, #tpu.memory_space<hbm>>
      %dma_wait3A_30 = tpu.memref_squeeze %dma_wait3A_29 : memref<1x640x8xf32, #tpu.memory_space<hbm>> -> memref<640x8xf32, #tpu.memory_space<hbm>>
      %dma_wait3A_31 = arith.constant 0 : i32
      %dma_wait3A_32 = tpu.memref_slice %arg6[%mul3A_22, %dma_wait3A_31] : memref<10240x8xf32, #tpu.memory_space<vmem_shared>> -> memref<640x8xf32, #tpu.memory_space<vmem_shared>>
      tpu.wait_dma2 semaphore(%run_scoped3A : memref<!tpu.dma_semaphore, #tpu.memory_space<semaphore_mem>>) src(%dma_wait3A_32 : memref<640x8xf32, #tpu.memory_space<vmem_shared>>) dst(%dma_wait3A_30 : memref<640x8xf32, #tpu.memory_space<hbm>>)
      tpu.yield
    }) : () -> ()
    return
  }
}

#map = affine_map<(d0, d1) -> (0, 0)>
#map1 = affine_map<(d0, d1) -> (0, 0, 0)>
module attributes {stable_mosaic.version = 14 : i64} {
  func.func @body(%arg0: i32, %arg1: i32, %arg2: memref<10000x64xf32, #tpu.memory_space<hbm>>, %arg3: memref<10000x16xf32, #tpu.memory_space<hbm>>, %arg4: memref<32x80x125xi32, #tpu.memory_space<hbm>>, %arg5: memref<32x80x125xi32, #tpu.memory_space<hbm>>, %arg6: memref<2x10240x64xf32, #tpu.memory_space<hbm>>, %arg7: memref<2x10240x16xf32, #tpu.memory_space<hbm>>, %arg8: memref<80x125xi32, #tpu.memory_space<vmem>>, %arg9: memref<80x125xi32, #tpu.memory_space<vmem>>, %arg10: memref<128x64xf32, #tpu.memory_space<vmem>>, %arg11: memref<128x16xf32, #tpu.memory_space<vmem>>, %arg12: memref<10240x64xf32, #tpu.memory_space<vmem_shared>>, %arg13: memref<10240x16xf32, #tpu.memory_space<vmem_shared>>, %arg14: memref<125x64xf32, #tpu.memory_space<vmem>>, %arg15: memref<125x64xf32, #tpu.memory_space<vmem>>, %arg16: memref<125x64xf32, #tpu.memory_space<vmem>>, %arg17: memref<125x64xf32, #tpu.memory_space<vmem>>, %arg18: memref<125x16xf32, #tpu.memory_space<vmem>>, %arg19: memref<125x16xf32, #tpu.memory_space<vmem>>, %arg20: memref<125x16xf32, #tpu.memory_space<vmem>>, %arg21: memref<125x16xf32, #tpu.memory_space<vmem>>, %arg22: memref<!tpu.dma_semaphore, #tpu.memory_space<semaphore_mem>>, %arg23: memref<!tpu.dma_semaphore, #tpu.memory_space<semaphore_mem>>, %arg24: memref<!tpu.dma_semaphore, #tpu.memory_space<semaphore_mem>>, %arg25: memref<!tpu.dma_semaphore, #tpu.memory_space<semaphore_mem>>, %arg26: memref<!tpu.dma_semaphore, #tpu.memory_space<semaphore_mem>>, %arg27: memref<!tpu.dma_semaphore, #tpu.memory_space<semaphore_mem>>, %arg28: memref<!tpu.dma_semaphore, #tpu.memory_space<semaphore_mem>>, %arg29: memref<!tpu.dma_semaphore, #tpu.memory_space<semaphore_mem>>) attributes {dimension_semantics = [#tpu.dimension_semantics<core_parallel>, #tpu.dimension_semantics<subcore_parallel>], iteration_bounds = array<i64: 2, 16>, scalar_prefetch = 0 : i64, scratch_operands = 22 : i64, tpu.core_type = #tpu.core_type<sc_vector_subcore>, window_params = [{transform_indices = #map}, {transform_indices = #map}, {transform_indices = #map1}, {transform_indices = #map1}, {transform_indices = #map1}, {transform_indices = #map1}]} {
    %mul3A = arith.constant 16 : i32
    %mul3A_0 = arith.muli %arg0, %mul3A : i32
    %add3A = arith.addi %mul3A_0, %arg1 : i32
    "tpu.region"() ({
      %run_scoped3A = tpu.sem_alloc : memref<!tpu.dma_semaphore, #tpu.memory_space<semaphore_mem>>
      %dma_start3A_75 = arith.constant 0 : i32
      %dma_start3A_76 = arith.constant 0 : i32
      %dma_start3A_77 = tpu.memref_slice %arg4[%add3A, %dma_start3A_75, %dma_start3A_76] : memref<32x80x125xi32, #tpu.memory_space<hbm>> -> memref<1x80x125xi32, #tpu.memory_space<hbm>>
      %dma_start3A_78 = tpu.memref_squeeze %dma_start3A_77 : memref<1x80x125xi32, #tpu.memory_space<hbm>> -> memref<80x125xi32, #tpu.memory_space<hbm>>
      %dma_start3A_79 = arith.constant 0 : i32
      %dma_start3A_80 = arith.constant 0 : i32
      %dma_start3A_81 = tpu.memref_slice %arg4[%add3A, %dma_start3A_79, %dma_start3A_80] : memref<32x80x125xi32, #tpu.memory_space<hbm>> -> memref<1x80x125xi32, #tpu.memory_space<hbm>>
      %dma_start3A_82 = tpu.memref_squeeze %dma_start3A_81 : memref<1x80x125xi32, #tpu.memory_space<hbm>> -> memref<80x125xi32, #tpu.memory_space<hbm>>
      tpu.enqueue_dma source(%dma_start3A_82 : memref<80x125xi32, #tpu.memory_space<hbm>>) target(%arg8 : memref<80x125xi32, #tpu.memory_space<vmem>>) target_semaphore(%run_scoped3A : memref<!tpu.dma_semaphore, #tpu.memory_space<semaphore_mem>>)
      %dma_wait3A = arith.constant 0 : i32
      %dma_wait3A_83 = arith.constant 0 : i32
      %dma_wait3A_84 = tpu.memref_slice %arg4[%add3A, %dma_wait3A, %dma_wait3A_83] : memref<32x80x125xi32, #tpu.memory_space<hbm>> -> memref<1x80x125xi32, #tpu.memory_space<hbm>>
      %dma_wait3A_85 = tpu.memref_squeeze %dma_wait3A_84 : memref<1x80x125xi32, #tpu.memory_space<hbm>> -> memref<80x125xi32, #tpu.memory_space<hbm>>
      %dma_wait3A_86 = arith.constant 0 : i32
      %dma_wait3A_87 = arith.constant 0 : i32
      %dma_wait3A_88 = tpu.memref_slice %arg4[%add3A, %dma_wait3A_86, %dma_wait3A_87] : memref<32x80x125xi32, #tpu.memory_space<hbm>> -> memref<1x80x125xi32, #tpu.memory_space<hbm>>
      %dma_wait3A_89 = tpu.memref_squeeze %dma_wait3A_88 : memref<1x80x125xi32, #tpu.memory_space<hbm>> -> memref<80x125xi32, #tpu.memory_space<hbm>>
      tpu.wait_dma2 semaphore(%run_scoped3A : memref<!tpu.dma_semaphore, #tpu.memory_space<semaphore_mem>>) src(%dma_wait3A_89 : memref<80x125xi32, #tpu.memory_space<hbm>>) dst(%arg8 : memref<80x125xi32, #tpu.memory_space<vmem>>)
      tpu.yield
    }) : () -> ()
    "tpu.region"() ({
      %run_scoped3A = tpu.sem_alloc : memref<!tpu.dma_semaphore, #tpu.memory_space<semaphore_mem>>
      %dma_start3A_75 = arith.constant 0 : i32
      %dma_start3A_76 = arith.constant 0 : i32
      %dma_start3A_77 = tpu.memref_slice %arg5[%add3A, %dma_start3A_75, %dma_start3A_76] : memref<32x80x125xi32, #tpu.memory_space<hbm>> -> memref<1x80x125xi32, #tpu.memory_space<hbm>>
      %dma_start3A_78 = tpu.memref_squeeze %dma_start3A_77 : memref<1x80x125xi32, #tpu.memory_space<hbm>> -> memref<80x125xi32, #tpu.memory_space<hbm>>
      %dma_start3A_79 = arith.constant 0 : i32
      %dma_start3A_80 = arith.constant 0 : i32
      %dma_start3A_81 = tpu.memref_slice %arg5[%add3A, %dma_start3A_79, %dma_start3A_80] : memref<32x80x125xi32, #tpu.memory_space<hbm>> -> memref<1x80x125xi32, #tpu.memory_space<hbm>>
      %dma_start3A_82 = tpu.memref_squeeze %dma_start3A_81 : memref<1x80x125xi32, #tpu.memory_space<hbm>> -> memref<80x125xi32, #tpu.memory_space<hbm>>
      tpu.enqueue_dma source(%dma_start3A_82 : memref<80x125xi32, #tpu.memory_space<hbm>>) target(%arg9 : memref<80x125xi32, #tpu.memory_space<vmem>>) target_semaphore(%run_scoped3A : memref<!tpu.dma_semaphore, #tpu.memory_space<semaphore_mem>>)
      %dma_wait3A = arith.constant 0 : i32
      %dma_wait3A_83 = arith.constant 0 : i32
      %dma_wait3A_84 = tpu.memref_slice %arg5[%add3A, %dma_wait3A, %dma_wait3A_83] : memref<32x80x125xi32, #tpu.memory_space<hbm>> -> memref<1x80x125xi32, #tpu.memory_space<hbm>>
      %dma_wait3A_85 = tpu.memref_squeeze %dma_wait3A_84 : memref<1x80x125xi32, #tpu.memory_space<hbm>> -> memref<80x125xi32, #tpu.memory_space<hbm>>
      %dma_wait3A_86 = arith.constant 0 : i32
      %dma_wait3A_87 = arith.constant 0 : i32
      %dma_wait3A_88 = tpu.memref_slice %arg5[%add3A, %dma_wait3A_86, %dma_wait3A_87] : memref<32x80x125xi32, #tpu.memory_space<hbm>> -> memref<1x80x125xi32, #tpu.memory_space<hbm>>
      %dma_wait3A_89 = tpu.memref_squeeze %dma_wait3A_88 : memref<1x80x125xi32, #tpu.memory_space<hbm>> -> memref<80x125xi32, #tpu.memory_space<hbm>>
      tpu.wait_dma2 semaphore(%run_scoped3A : memref<!tpu.dma_semaphore, #tpu.memory_space<semaphore_mem>>) src(%dma_wait3A_89 : memref<80x125xi32, #tpu.memory_space<hbm>>) dst(%arg9 : memref<80x125xi32, #tpu.memory_space<vmem>>)
      tpu.yield
    }) : () -> ()
    %scan3A = arith.constant 0 : i32
    %scan3A_1 = arith.constant 128 : i32
    %scan3A_2 = arith.addi %scan3A, %scan3A_1 : i32
    %scan3A_3 = arith.constant 1 : i32
    scf.for %scan3A_75 = %scan3A to %scan3A_2 step %scan3A_3  : i32 {
      %mul3A_76 = arith.constant 1 : i32
      %mul3A_77 = arith.muli %scan3A_75, %mul3A_76 : i32
      %add3A_78 = arith.constant 0 : i32
      %add3A_79 = arith.addi %add3A_78, %mul3A_77 : i32
      %scan3A_80 = arith.constant 0 : i32
      %scan3A_81 = arith.constant 4 : i32
      %scan3A_82 = arith.addi %scan3A_80, %scan3A_81 : i32
      %scan3A_83 = arith.constant 1 : i32
      scf.for %scan3A_85 = %scan3A_80 to %scan3A_82 step %scan3A_83  : i32 {
        %mul3A_86 = arith.constant 16 : i32
        %mul3A_87 = arith.muli %scan3A_85, %mul3A_86 : i32
        %add3A_88 = arith.constant 0 : i32
        %add3A_89 = arith.addi %add3A_88, %mul3A_87 : i32
        %broadcast_in_dim3A = arith.constant 0.000000e+00 : f32
        %broadcast_in_dim3A_90 = vector.broadcast %broadcast_in_dim3A : f32 to vector<16xf32>
        %swap3A = arith.index_cast %add3A_79 : i32 to index
        %swap3A_91 = arith.index_cast %add3A_89 : i32 to index
        %swap3A_92 = tpu.vector_load %arg10[%swap3A, %swap3A_91] {strides = array<i32>} : memref<128x64xf32, #tpu.memory_space<vmem>>, vector<1x16xf32>,
        %swap3A_93 = vector.shape_cast %swap3A_92 : vector<1x16xf32> to vector<16xf32>
        %swap3A_94 = vector.shape_cast %broadcast_in_dim3A_90 : vector<16xf32> to vector<1x16xf32>
        tpu.vector_store %arg10[%swap3A, %swap3A_91], %swap3A_94 {strides = array<i32>} : memref<128x64xf32, #tpu.memory_space<vmem>>, vector<1x16xf32>,
      }
      %scan3A_84 = arith.constant 4 : i32
    }
    %scan3A_4 = arith.constant 128 : i32
    %scan3A_5 = arith.constant 0 : i32
    %scan3A_6 = arith.constant 5 : i32
    %scan3A_7 = arith.addi %scan3A_5, %scan3A_6 : i32
    %scan3A_8 = arith.constant 1 : i32
    scf.for %scan3A_75 = %scan3A_5 to %scan3A_7 step %scan3A_8  : i32 {
      %mul3A_76 = arith.constant 128 : i32
      %mul3A_77 = arith.muli %scan3A_75, %mul3A_76 : i32
      %add3A_78 = arith.constant 0 : i32
      %add3A_79 = arith.addi %add3A_78, %mul3A_77 : i32
      %mul3A_80 = arith.constant 640 : i32
      %mul3A_81 = arith.muli %arg1, %mul3A_80 : i32
      %add3A_82 = arith.addi %mul3A_81, %add3A_79 : i32
      "tpu.region"() ({
        %run_scoped3A = tpu.sem_alloc : memref<!tpu.dma_semaphore, #tpu.memory_space<semaphore_mem>>
        %dma_start3A_83 = arith.constant 0 : i32
        %dma_start3A_84 = tpu.memref_slice %arg12[%add3A_82, %dma_start3A_83] : memref<10240x64xf32, #tpu.memory_space<vmem_shared>> -> memref<128x64xf32, #tpu.memory_space<vmem_shared>>
        %dma_start3A_85 = arith.constant 0 : i32
        %dma_start3A_86 = tpu.memref_slice %arg12[%add3A_82, %dma_start3A_85] : memref<10240x64xf32, #tpu.memory_space<vmem_shared>> -> memref<128x64xf32, #tpu.memory_space<vmem_shared>>
        tpu.enqueue_dma source(%arg10 : memref<128x64xf32, #tpu.memory_space<vmem>>) target(%dma_start3A_86 : memref<128x64xf32, #tpu.memory_space<vmem_shared>>) target_semaphore(%run_scoped3A : memref<!tpu.dma_semaphore, #tpu.memory_space<semaphore_mem>>)
        %dma_wait3A = arith.constant 0 : i32
        %dma_wait3A_87 = tpu.memref_slice %arg12[%add3A_82, %dma_wait3A] : memref<10240x64xf32, #tpu.memory_space<vmem_shared>> -> memref<128x64xf32, #tpu.memory_space<vmem_shared>>
        %dma_wait3A_88 = arith.constant 0 : i32
        %dma_wait3A_89 = tpu.memref_slice %arg12[%add3A_82, %dma_wait3A_88] : memref<10240x64xf32, #tpu.memory_space<vmem_shared>> -> memref<128x64xf32, #tpu.memory_space<vmem_shared>>
        tpu.wait_dma2 semaphore(%run_scoped3A : memref<!tpu.dma_semaphore, #tpu.memory_space<semaphore_mem>>) src(%arg10 : memref<128x64xf32, #tpu.memory_space<vmem>>) dst(%dma_wait3A_89 : memref<128x64xf32, #tpu.memory_space<vmem_shared>>)
        tpu.yield
      }) : () -> ()
    }
    %scan3A_9 = arith.constant 5 : i32
    %scan3A_10 = arith.constant 0 : i32
    %scan3A_11 = arith.constant 128 : i32
    %scan3A_12 = arith.addi %scan3A_10, %scan3A_11 : i32
    %scan3A_13 = arith.constant 1 : i32
    scf.for %scan3A_75 = %scan3A_10 to %scan3A_12 step %scan3A_13  : i32 {
      %mul3A_76 = arith.constant 1 : i32
      %mul3A_77 = arith.muli %scan3A_75, %mul3A_76 : i32
      %add3A_78 = arith.constant 0 : i32
      %add3A_79 = arith.addi %add3A_78, %mul3A_77 : i32
      %scan3A_80 = arith.constant 0 : i32
      %mul3A_81 = arith.constant 16 : i32
      %mul3A_82 = arith.muli %scan3A_80, %mul3A_81 : i32
      %add3A_83 = arith.constant 0 : i32
      %add3A_84 = arith.addi %add3A_83, %mul3A_82 : i32
      %broadcast_in_dim3A = arith.constant 0.000000e+00 : f32
      %broadcast_in_dim3A_85 = vector.broadcast %broadcast_in_dim3A : f32 to vector<16xf32>
      %swap3A = arith.index_cast %add3A_79 : i32 to index
      %swap3A_86 = arith.index_cast %add3A_84 : i32 to index
      %swap3A_87 = tpu.vector_load %arg11[%swap3A, %swap3A_86] {strides = array<i32>} : memref<128x16xf32, #tpu.memory_space<vmem>>, vector<1x16xf32>,
      %swap3A_88 = vector.shape_cast %swap3A_87 : vector<1x16xf32> to vector<16xf32>
      %swap3A_89 = vector.shape_cast %broadcast_in_dim3A_85 : vector<16xf32> to vector<1x16xf32>
      tpu.vector_store %arg11[%swap3A, %swap3A_86], %swap3A_89 {strides = array<i32>} : memref<128x16xf32, #tpu.memory_space<vmem>>, vector<1x16xf32>,
      %scan3A_90 = arith.constant 1 : i32
    }
    %scan3A_14 = arith.constant 128 : i32
    %scan3A_15 = arith.constant 0 : i32
    %scan3A_16 = arith.constant 5 : i32
    %scan3A_17 = arith.addi %scan3A_15, %scan3A_16 : i32
    %scan3A_18 = arith.constant 1 : i32
    scf.for %scan3A_75 = %scan3A_15 to %scan3A_17 step %scan3A_18  : i32 {
      %mul3A_76 = arith.constant 128 : i32
      %mul3A_77 = arith.muli %scan3A_75, %mul3A_76 : i32
      %add3A_78 = arith.constant 0 : i32
      %add3A_79 = arith.addi %add3A_78, %mul3A_77 : i32
      %mul3A_80 = arith.constant 640 : i32
      %mul3A_81 = arith.muli %arg1, %mul3A_80 : i32
      %add3A_82 = arith.addi %mul3A_81, %add3A_79 : i32
      "tpu.region"() ({
        %run_scoped3A = tpu.sem_alloc : memref<!tpu.dma_semaphore, #tpu.memory_space<semaphore_mem>>
        %dma_start3A_83 = arith.constant 0 : i32
        %dma_start3A_84 = tpu.memref_slice %arg13[%add3A_82, %dma_start3A_83] : memref<10240x16xf32, #tpu.memory_space<vmem_shared>> -> memref<128x16xf32, #tpu.memory_space<vmem_shared>>
        %dma_start3A_85 = arith.constant 0 : i32
        %dma_start3A_86 = tpu.memref_slice %arg13[%add3A_82, %dma_start3A_85] : memref<10240x16xf32, #tpu.memory_space<vmem_shared>> -> memref<128x16xf32, #tpu.memory_space<vmem_shared>>
        tpu.enqueue_dma source(%arg11 : memref<128x16xf32, #tpu.memory_space<vmem>>) target(%dma_start3A_86 : memref<128x16xf32, #tpu.memory_space<vmem_shared>>) target_semaphore(%run_scoped3A : memref<!tpu.dma_semaphore, #tpu.memory_space<semaphore_mem>>)
        %dma_wait3A = arith.constant 0 : i32
        %dma_wait3A_87 = tpu.memref_slice %arg13[%add3A_82, %dma_wait3A] : memref<10240x16xf32, #tpu.memory_space<vmem_shared>> -> memref<128x16xf32, #tpu.memory_space<vmem_shared>>
        %dma_wait3A_88 = arith.constant 0 : i32
        %dma_wait3A_89 = tpu.memref_slice %arg13[%add3A_82, %dma_wait3A_88] : memref<10240x16xf32, #tpu.memory_space<vmem_shared>> -> memref<128x16xf32, #tpu.memory_space<vmem_shared>>
        tpu.wait_dma2 semaphore(%run_scoped3A : memref<!tpu.dma_semaphore, #tpu.memory_space<semaphore_mem>>) src(%arg11 : memref<128x16xf32, #tpu.memory_space<vmem>>) dst(%dma_wait3A_89 : memref<128x16xf32, #tpu.memory_space<vmem_shared>>)
        tpu.yield
      }) : () -> ()
    }
    %scan3A_19 = arith.constant 5 : i32
    %barrier3A = arith.constant 0 : index
    tpu.barrier barrier_id(%barrier3A)
    %dma_start3A = arith.constant 0 : i32
    %dma_start3A_20 = arith.constant 0 : i32
    %dma_start3A_21 = tpu.memref_slice %arg8[%dma_start3A, %dma_start3A_20] : memref<80x125xi32, #tpu.memory_space<vmem>> -> memref<1x125xi32, #tpu.memory_space<vmem>>
    %dma_start3A_22 = tpu.memref_squeeze %dma_start3A_21 : memref<1x125xi32, #tpu.memory_space<vmem>> -> memref<125xi32, #tpu.memory_space<vmem>>
    %dma_start3A_23 = arith.constant 0 : i32
    %dma_start3A_24 = arith.constant 0 : i32
    %dma_start3A_25 = tpu.memref_slice %arg2[%dma_start3A_23, %dma_start3A_24] : memref<10000x64xf32, #tpu.memory_space<hbm>> -> memref<10000x64xf32, #tpu.memory_space<hbm>>
    tpu.enqueue_indirect_dma source(%dma_start3A_25 : memref<10000x64xf32, #tpu.memory_space<hbm>>) target(%arg14 : memref<125x64xf32, #tpu.memory_space<vmem>>) offsets(%dma_start3A_22 : memref<125xi32, #tpu.memory_space<vmem>>) semaphore(%arg22 : memref<!tpu.dma_semaphore, #tpu.memory_space<semaphore_mem>>)
    %dma_start3A_26 = arith.constant 0 : i32
    %dma_start3A_27 = arith.constant 0 : i32
    %dma_start3A_28 = tpu.memref_slice %arg9[%dma_start3A_26, %dma_start3A_27] : memref<80x125xi32, #tpu.memory_space<vmem>> -> memref<1x125xi32, #tpu.memory_space<vmem>>
    %dma_start3A_29 = tpu.memref_squeeze %dma_start3A_28 : memref<1x125xi32, #tpu.memory_space<vmem>> -> memref<125xi32, #tpu.memory_space<vmem>>
    %dma_start3A_30 = arith.constant 0 : i32
    %dma_start3A_31 = arith.constant 0 : i32
    %dma_start3A_32 = tpu.memref_slice %arg3[%dma_start3A_30, %dma_start3A_31] : memref<10000x16xf32, #tpu.memory_space<hbm>> -> memref<10000x16xf32, #tpu.memory_space<hbm>>
    tpu.enqueue_indirect_dma source(%dma_start3A_32 : memref<10000x16xf32, #tpu.memory_space<hbm>>) target(%arg18 : memref<125x16xf32, #tpu.memory_space<vmem>>) offsets(%dma_start3A_29 : memref<125xi32, #tpu.memory_space<vmem>>) semaphore(%arg26 : memref<!tpu.dma_semaphore, #tpu.memory_space<semaphore_mem>>)
    %dma_start3A_33 = arith.constant 1 : i32
    %dma_start3A_34 = arith.constant 0 : i32
    %dma_start3A_35 = tpu.memref_slice %arg8[%dma_start3A_33, %dma_start3A_34] : memref<80x125xi32, #tpu.memory_space<vmem>> -> memref<1x125xi32, #tpu.memory_space<vmem>>
    %dma_start3A_36 = tpu.memref_squeeze %dma_start3A_35 : memref<1x125xi32, #tpu.memory_space<vmem>> -> memref<125xi32, #tpu.memory_space<vmem>>
    %dma_start3A_37 = arith.constant 0 : i32
    %dma_start3A_38 = arith.constant 0 : i32
    %dma_start3A_39 = tpu.memref_slice %arg2[%dma_start3A_37, %dma_start3A_38] : memref<10000x64xf32, #tpu.memory_space<hbm>> -> memref<10000x64xf32, #tpu.memory_space<hbm>>
    tpu.enqueue_indirect_dma source(%dma_start3A_39 : memref<10000x64xf32, #tpu.memory_space<hbm>>) target(%arg15 : memref<125x64xf32, #tpu.memory_space<vmem>>) offsets(%dma_start3A_36 : memref<125xi32, #tpu.memory_space<vmem>>) semaphore(%arg23 : memref<!tpu.dma_semaphore, #tpu.memory_space<semaphore_mem>>)
    %dma_start3A_40 = arith.constant 1 : i32
    %dma_start3A_41 = arith.constant 0 : i32
    %dma_start3A_42 = tpu.memref_slice %arg9[%dma_start3A_40, %dma_start3A_41] : memref<80x125xi32, #tpu.memory_space<vmem>> -> memref<1x125xi32, #tpu.memory_space<vmem>>
    %dma_start3A_43 = tpu.memref_squeeze %dma_start3A_42 : memref<1x125xi32, #tpu.memory_space<vmem>> -> memref<125xi32, #tpu.memory_space<vmem>>
    %dma_start3A_44 = arith.constant 0 : i32
    %dma_start3A_45 = arith.constant 0 : i32
    %dma_start3A_46 = tpu.memref_slice %arg3[%dma_start3A_44, %dma_start3A_45] : memref<10000x16xf32, #tpu.memory_space<hbm>> -> memref<10000x16xf32, #tpu.memory_space<hbm>>
    tpu.enqueue_indirect_dma source(%dma_start3A_46 : memref<10000x16xf32, #tpu.memory_space<hbm>>) target(%arg19 : memref<125x16xf32, #tpu.memory_space<vmem>>) offsets(%dma_start3A_43 : memref<125xi32, #tpu.memory_space<vmem>>) semaphore(%arg27 : memref<!tpu.dma_semaphore, #tpu.memory_space<semaphore_mem>>)
    %dma_start3A_47 = arith.constant 2 : i32
    %dma_start3A_48 = arith.constant 0 : i32
    %dma_start3A_49 = tpu.memref_slice %arg8[%dma_start3A_47, %dma_start3A_48] : memref<80x125xi32, #tpu.memory_space<vmem>> -> memref<1x125xi32, #tpu.memory_space<vmem>>
    %dma_start3A_50 = tpu.memref_squeeze %dma_start3A_49 : memref<1x125xi32, #tpu.memory_space<vmem>> -> memref<125xi32, #tpu.memory_space<vmem>>
    %dma_start3A_51 = arith.constant 0 : i32
    %dma_start3A_52 = arith.constant 0 : i32
    %dma_start3A_53 = tpu.memref_slice %arg2[%dma_start3A_51, %dma_start3A_52] : memref<10000x64xf32, #tpu.memory_space<hbm>> -> memref<10000x64xf32, #tpu.memory_space<hbm>>
    tpu.enqueue_indirect_dma source(%dma_start3A_53 : memref<10000x64xf32, #tpu.memory_space<hbm>>) target(%arg16 : memref<125x64xf32, #tpu.memory_space<vmem>>) offsets(%dma_start3A_50 : memref<125xi32, #tpu.memory_space<vmem>>) semaphore(%arg24 : memref<!tpu.dma_semaphore, #tpu.memory_space<semaphore_mem>>)
    %dma_start3A_54 = arith.constant 2 : i32
    %dma_start3A_55 = arith.constant 0 : i32
    %dma_start3A_56 = tpu.memref_slice %arg9[%dma_start3A_54, %dma_start3A_55] : memref<80x125xi32, #tpu.memory_space<vmem>> -> memref<1x125xi32, #tpu.memory_space<vmem>>
    %dma_start3A_57 = tpu.memref_squeeze %dma_start3A_56 : memref<1x125xi32, #tpu.memory_space<vmem>> -> memref<125xi32, #tpu.memory_space<vmem>>
    %dma_start3A_58 = arith.constant 0 : i32
    %dma_start3A_59 = arith.constant 0 : i32
    %dma_start3A_60 = tpu.memref_slice %arg3[%dma_start3A_58, %dma_start3A_59] : memref<10000x16xf32, #tpu.memory_space<hbm>> -> memref<10000x16xf32, #tpu.memory_space<hbm>>
    tpu.enqueue_indirect_dma source(%dma_start3A_60 : memref<10000x16xf32, #tpu.memory_space<hbm>>) target(%arg20 : memref<125x16xf32, #tpu.memory_space<vmem>>) offsets(%dma_start3A_57 : memref<125xi32, #tpu.memory_space<vmem>>) semaphore(%arg28 : memref<!tpu.dma_semaphore, #tpu.memory_space<semaphore_mem>>)
    %scan3A_61 = arith.constant 0 : i32
    %scan3A_62 = arith.constant 20 : i32
    %scan3A_63 = arith.addi %scan3A_61, %scan3A_62 : i32
    %scan3A_64 = arith.constant 1 : i32
    scf.for %scan3A_75 = %scan3A_61 to %scan3A_63 step %scan3A_64  : i32 {
      %mul3A_76 = arith.constant 4 : i32
      %mul3A_77 = arith.muli %scan3A_75, %mul3A_76 : i32
      %add3A_78 = arith.constant 0 : i32
      %add3A_79 = arith.addi %add3A_78, %mul3A_77 : i32
      %add3A_80 = arith.constant 0 : i32
      %add3A_81 = arith.addi %add3A_79, %add3A_80 : i32
      %add3A_82 = arith.constant 3 : i32
      %add3A_83 = arith.addi %add3A_81, %add3A_82 : i32
      %lt3A = arith.constant 80 : i32
      %lt3A_84 = arith.cmpi slt, %add3A_83, %lt3A : i32
      %convert_element_type3A = arith.extui %lt3A_84 : i1 to i32
      %cond3A = arith.constant 0 : i32
      %cond3A_85 = arith.cmpi ne, %convert_element_type3A, %cond3A : i32
      scf.if %cond3A_85 {
        %dma_start3A_192 = arith.constant 0 : i32
        %dma_start3A_193 = tpu.memref_slice %arg8[%add3A_83, %dma_start3A_192] : memref<80x125xi32, #tpu.memory_space<vmem>> -> memref<1x125xi32, #tpu.memory_space<vmem>>
        %dma_start3A_194 = tpu.memref_squeeze %dma_start3A_193 : memref<1x125xi32, #tpu.memory_space<vmem>> -> memref<125xi32, #tpu.memory_space<vmem>>
        %dma_start3A_195 = arith.constant 0 : i32
        %dma_start3A_196 = arith.constant 0 : i32
        %dma_start3A_197 = tpu.memref_slice %arg2[%dma_start3A_195, %dma_start3A_196] : memref<10000x64xf32, #tpu.memory_space<hbm>> -> memref<10000x64xf32, #tpu.memory_space<hbm>>
        tpu.enqueue_indirect_dma source(%dma_start3A_197 : memref<10000x64xf32, #tpu.memory_space<hbm>>) target(%arg17 : memref<125x64xf32, #tpu.memory_space<vmem>>) offsets(%dma_start3A_194 : memref<125xi32, #tpu.memory_space<vmem>>) semaphore(%arg25 : memref<!tpu.dma_semaphore, #tpu.memory_space<semaphore_mem>>)
        %dma_start3A_198 = arith.constant 0 : i32
        %dma_start3A_199 = tpu.memref_slice %arg9[%add3A_83, %dma_start3A_198] : memref<80x125xi32, #tpu.memory_space<vmem>> -> memref<1x125xi32, #tpu.memory_space<vmem>>
        %dma_start3A_200 = tpu.memref_squeeze %dma_start3A_199 : memref<1x125xi32, #tpu.memory_space<vmem>> -> memref<125xi32, #tpu.memory_space<vmem>>
        %dma_start3A_201 = arith.constant 0 : i32
        %dma_start3A_202 = arith.constant 0 : i32
        %dma_start3A_203 = tpu.memref_slice %arg3[%dma_start3A_201, %dma_start3A_202] : memref<10000x16xf32, #tpu.memory_space<hbm>> -> memref<10000x16xf32, #tpu.memory_space<hbm>>
        tpu.enqueue_indirect_dma source(%dma_start3A_203 : memref<10000x16xf32, #tpu.memory_space<hbm>>) target(%arg21 : memref<125x16xf32, #tpu.memory_space<vmem>>) offsets(%dma_start3A_200 : memref<125xi32, #tpu.memory_space<vmem>>) semaphore(%arg29 : memref<!tpu.dma_semaphore, #tpu.memory_space<semaphore_mem>>)
      } else {
      }
      %add3A_86 = arith.constant 0 : i32
      %add3A_87 = arith.addi %add3A_79, %add3A_86 : i32
      %dma_wait3A = arith.constant 0 : i32
      %dma_wait3A_88 = tpu.memref_slice %arg8[%add3A_87, %dma_wait3A] : memref<80x125xi32, #tpu.memory_space<vmem>> -> memref<1x125xi32, #tpu.memory_space<vmem>>
      %dma_wait3A_89 = tpu.memref_squeeze %dma_wait3A_88 : memref<1x125xi32, #tpu.memory_space<vmem>> -> memref<125xi32, #tpu.memory_space<vmem>>
      %dma_wait3A_90 = arith.constant 0 : i32
      %dma_wait3A_91 = arith.constant 0 : i32
      %dma_wait3A_92 = tpu.memref_slice %arg2[%dma_wait3A_90, %dma_wait3A_91] : memref<10000x64xf32, #tpu.memory_space<hbm>> -> memref<10000x64xf32, #tpu.memory_space<hbm>>
      tpu.wait_indirect_dma semaphore(%arg22 : memref<!tpu.dma_semaphore, #tpu.memory_space<semaphore_mem>>) src(%dma_wait3A_92 : memref<10000x64xf32, #tpu.memory_space<hbm>>) dst(%arg14 : memref<125x64xf32, #tpu.memory_space<vmem>>)
      %add3A_93 = arith.constant 0 : i32
      %add3A_94 = arith.addi %add3A_79, %add3A_93 : i32
      "tpu.region"() ({
        %run_scoped3A = tpu.sem_alloc : memref<!tpu.dma_semaphore, #tpu.memory_space<semaphore_mem>>
        %dma_start3A_192 = arith.constant 0 : i32
        %dma_start3A_193 = tpu.memref_slice %arg9[%add3A_94, %dma_start3A_192] : memref<80x125xi32, #tpu.memory_space<vmem>> -> memref<1x125xi32, #tpu.memory_space<vmem>>
        %dma_start3A_194 = tpu.memref_squeeze %dma_start3A_193 : memref<1x125xi32, #tpu.memory_space<vmem>> -> memref<125xi32, #tpu.memory_space<vmem>>
        %dma_start3A_195 = arith.constant 0 : i32
        %dma_start3A_196 = arith.constant 0 : i32
        %dma_start3A_197 = tpu.memref_slice %arg12[%dma_start3A_195, %dma_start3A_196] : memref<10240x64xf32, #tpu.memory_space<vmem_shared>> -> memref<10240x64xf32, #tpu.memory_space<vmem_shared>>
        tpu.enqueue_indirect_dma source(%arg14 : memref<125x64xf32, #tpu.memory_space<vmem>>) target(%dma_start3A_197 : memref<10240x64xf32, #tpu.memory_space<vmem_shared>>) offsets(%dma_start3A_194 : memref<125xi32, #tpu.memory_space<vmem>>) semaphore(%run_scoped3A : memref<!tpu.dma_semaphore, #tpu.memory_space<semaphore_mem>>) {add = true}
        %dma_wait3A_198 = arith.constant 0 : i32
        %dma_wait3A_199 = tpu.memref_slice %arg9[%add3A_94, %dma_wait3A_198] : memref<80x125xi32, #tpu.memory_space<vmem>> -> memref<1x125xi32, #tpu.memory_space<vmem>>
        %dma_wait3A_200 = tpu.memref_squeeze %dma_wait3A_199 : memref<1x125xi32, #tpu.memory_space<vmem>> -> memref<125xi32, #tpu.memory_space<vmem>>
        %dma_wait3A_201 = arith.constant 0 : i32
        %dma_wait3A_202 = arith.constant 0 : i32
        %dma_wait3A_203 = tpu.memref_slice %arg12[%dma_wait3A_201, %dma_wait3A_202] : memref<10240x64xf32, #tpu.memory_space<vmem_shared>> -> memref<10240x64xf32, #tpu.memory_space<vmem_shared>>
        tpu.wait_indirect_dma semaphore(%run_scoped3A : memref<!tpu.dma_semaphore, #tpu.memory_space<semaphore_mem>>) src(%arg14 : memref<125x64xf32, #tpu.memory_space<vmem>>) dst(%dma_wait3A_203 : memref<10240x64xf32, #tpu.memory_space<vmem_shared>>)
        tpu.yield
      }) : () -> ()
      %add3A_95 = arith.constant 0 : i32
      %add3A_96 = arith.addi %add3A_79, %add3A_95 : i32
      %dma_wait3A_97 = arith.constant 0 : i32
      %dma_wait3A_98 = tpu.memref_slice %arg9[%add3A_96, %dma_wait3A_97] : memref<80x125xi32, #tpu.memory_space<vmem>> -> memref<1x125xi32, #tpu.memory_space<vmem>>
      %dma_wait3A_99 = tpu.memref_squeeze %dma_wait3A_98 : memref<1x125xi32, #tpu.memory_space<vmem>> -> memref<125xi32, #tpu.memory_space<vmem>>
      %dma_wait3A_100 = arith.constant 0 : i32
      %dma_wait3A_101 = arith.constant 0 : i32
      %dma_wait3A_102 = tpu.memref_slice %arg3[%dma_wait3A_100, %dma_wait3A_101] : memref<10000x16xf32, #tpu.memory_space<hbm>> -> memref<10000x16xf32, #tpu.memory_space<hbm>>
      tpu.wait_indirect_dma semaphore(%arg26 : memref<!tpu.dma_semaphore, #tpu.memory_space<semaphore_mem>>) src(%dma_wait3A_102 : memref<10000x16xf32, #tpu.memory_space<hbm>>) dst(%arg18 : memref<125x16xf32, #tpu.memory_space<vmem>>)
      %add3A_103 = arith.constant 0 : i32
      %add3A_104 = arith.addi %add3A_79, %add3A_103 : i32
      "tpu.region"() ({
        %run_scoped3A = tpu.sem_alloc : memref<!tpu.dma_semaphore, #tpu.memory_space<semaphore_mem>>
        %dma_start3A_192 = arith.constant 0 : i32
        %dma_start3A_193 = tpu.memref_slice %arg8[%add3A_104, %dma_start3A_192] : memref<80x125xi32, #tpu.memory_space<vmem>> -> memref<1x125xi32, #tpu.memory_space<vmem>>
        %dma_start3A_194 = tpu.memref_squeeze %dma_start3A_193 : memref<1x125xi32, #tpu.memory_space<vmem>> -> memref<125xi32, #tpu.memory_space<vmem>>
        %dma_start3A_195 = arith.constant 0 : i32
        %dma_start3A_196 = arith.constant 0 : i32
        %dma_start3A_197 = tpu.memref_slice %arg13[%dma_start3A_195, %dma_start3A_196] : memref<10240x16xf32, #tpu.memory_space<vmem_shared>> -> memref<10240x16xf32, #tpu.memory_space<vmem_shared>>
        tpu.enqueue_indirect_dma source(%arg18 : memref<125x16xf32, #tpu.memory_space<vmem>>) target(%dma_start3A_197 : memref<10240x16xf32, #tpu.memory_space<vmem_shared>>) offsets(%dma_start3A_194 : memref<125xi32, #tpu.memory_space<vmem>>) semaphore(%run_scoped3A : memref<!tpu.dma_semaphore, #tpu.memory_space<semaphore_mem>>) {add = true}
        %dma_wait3A_198 = arith.constant 0 : i32
        %dma_wait3A_199 = tpu.memref_slice %arg8[%add3A_104, %dma_wait3A_198] : memref<80x125xi32, #tpu.memory_space<vmem>> -> memref<1x125xi32, #tpu.memory_space<vmem>>
        %dma_wait3A_200 = tpu.memref_squeeze %dma_wait3A_199 : memref<1x125xi32, #tpu.memory_space<vmem>> -> memref<125xi32, #tpu.memory_space<vmem>>
        %dma_wait3A_201 = arith.constant 0 : i32
        %dma_wait3A_202 = arith.constant 0 : i32
        %dma_wait3A_203 = tpu.memref_slice %arg13[%dma_wait3A_201, %dma_wait3A_202] : memref<10240x16xf32, #tpu.memory_space<vmem_shared>> -> memref<10240x16xf32, #tpu.memory_space<vmem_shared>>
        tpu.wait_indirect_dma semaphore(%run_scoped3A : memref<!tpu.dma_semaphore, #tpu.memory_space<semaphore_mem>>) src(%arg18 : memref<125x16xf32, #tpu.memory_space<vmem>>) dst(%dma_wait3A_203 : memref<10240x16xf32, #tpu.memory_space<vmem_shared>>)
        tpu.yield
      }) : () -> ()
      %add3A_105 = arith.constant 1 : i32
      %add3A_106 = arith.addi %add3A_79, %add3A_105 : i32
      %add3A_107 = arith.constant 3 : i32
      %add3A_108 = arith.addi %add3A_106, %add3A_107 : i32
      %lt3A_109 = arith.constant 80 : i32
      %lt3A_110 = arith.cmpi slt, %add3A_108, %lt3A_109 : i32
      %convert_element_type3A_111 = arith.extui %lt3A_110 : i1 to i32
      %cond3A_112 = arith.constant 0 : i32
      %cond3A_113 = arith.cmpi ne, %convert_element_type3A_111, %cond3A_112 : i32
      scf.if %cond3A_113 {
        %dma_start3A_192 = arith.constant 0 : i32
        %dma_start3A_193 = tpu.memref_slice %arg8[%add3A_108, %dma_start3A_192] : memref<80x125xi32, #tpu.memory_space<vmem>> -> memref<1x125xi32, #tpu.memory_space<vmem>>
        %dma_start3A_194 = tpu.memref_squeeze %dma_start3A_193 : memref<1x125xi32, #tpu.memory_space<vmem>> -> memref<125xi32, #tpu.memory_space<vmem>>
        %dma_start3A_195 = arith.constant 0 : i32
        %dma_start3A_196 = arith.constant 0 : i32
        %dma_start3A_197 = tpu.memref_slice %arg2[%dma_start3A_195, %dma_start3A_196] : memref<10000x64xf32, #tpu.memory_space<hbm>> -> memref<10000x64xf32, #tpu.memory_space<hbm>>
        tpu.enqueue_indirect_dma source(%dma_start3A_197 : memref<10000x64xf32, #tpu.memory_space<hbm>>) target(%arg14 : memref<125x64xf32, #tpu.memory_space<vmem>>) offsets(%dma_start3A_194 : memref<125xi32, #tpu.memory_space<vmem>>) semaphore(%arg22 : memref<!tpu.dma_semaphore, #tpu.memory_space<semaphore_mem>>)
        %dma_start3A_198 = arith.constant 0 : i32
        %dma_start3A_199 = tpu.memref_slice %arg9[%add3A_108, %dma_start3A_198] : memref<80x125xi32, #tpu.memory_space<vmem>> -> memref<1x125xi32, #tpu.memory_space<vmem>>
        %dma_start3A_200 = tpu.memref_squeeze %dma_start3A_199 : memref<1x125xi32, #tpu.memory_space<vmem>> -> memref<125xi32, #tpu.memory_space<vmem>>
        %dma_start3A_201 = arith.constant 0 : i32
        %dma_start3A_202 = arith.constant 0 : i32
        %dma_start3A_203 = tpu.memref_slice %arg3[%dma_start3A_201, %dma_start3A_202] : memref<10000x16xf32, #tpu.memory_space<hbm>> -> memref<10000x16xf32, #tpu.memory_space<hbm>>
        tpu.enqueue_indirect_dma source(%dma_start3A_203 : memref<10000x16xf32, #tpu.memory_space<hbm>>) target(%arg18 : memref<125x16xf32, #tpu.memory_space<vmem>>) offsets(%dma_start3A_200 : memref<125xi32, #tpu.memory_space<vmem>>) semaphore(%arg26 : memref<!tpu.dma_semaphore, #tpu.memory_space<semaphore_mem>>)
      } else {
      }
      %add3A_114 = arith.constant 1 : i32
      %add3A_115 = arith.addi %add3A_79, %add3A_114 : i32
      %dma_wait3A_116 = arith.constant 0 : i32
      %dma_wait3A_117 = tpu.memref_slice %arg8[%add3A_115, %dma_wait3A_116] : memref<80x125xi32, #tpu.memory_space<vmem>> -> memref<1x125xi32, #tpu.memory_space<vmem>>
      %dma_wait3A_118 = tpu.memref_squeeze %dma_wait3A_117 : memref<1x125xi32, #tpu.memory_space<vmem>> -> memref<125xi32, #tpu.memory_space<vmem>>
      %dma_wait3A_119 = arith.constant 0 : i32
      %dma_wait3A_120 = arith.constant 0 : i32
      %dma_wait3A_121 = tpu.memref_slice %arg2[%dma_wait3A_119, %dma_wait3A_120] : memref<10000x64xf32, #tpu.memory_space<hbm>> -> memref<10000x64xf32, #tpu.memory_space<hbm>>
      tpu.wait_indirect_dma semaphore(%arg23 : memref<!tpu.dma_semaphore, #tpu.memory_space<semaphore_mem>>) src(%dma_wait3A_121 : memref<10000x64xf32, #tpu.memory_space<hbm>>) dst(%arg15 : memref<125x64xf32, #tpu.memory_space<vmem>>)
      %add3A_122 = arith.constant 1 : i32
      %add3A_123 = arith.addi %add3A_79, %add3A_122 : i32
      "tpu.region"() ({
        %run_scoped3A = tpu.sem_alloc : memref<!tpu.dma_semaphore, #tpu.memory_space<semaphore_mem>>
        %dma_start3A_192 = arith.constant 0 : i32
        %dma_start3A_193 = tpu.memref_slice %arg9[%add3A_123, %dma_start3A_192] : memref<80x125xi32, #tpu.memory_space<vmem>> -> memref<1x125xi32, #tpu.memory_space<vmem>>
        %dma_start3A_194 = tpu.memref_squeeze %dma_start3A_193 : memref<1x125xi32, #tpu.memory_space<vmem>> -> memref<125xi32, #tpu.memory_space<vmem>>
        %dma_start3A_195 = arith.constant 0 : i32
        %dma_start3A_196 = arith.constant 0 : i32
        %dma_start3A_197 = tpu.memref_slice %arg12[%dma_start3A_195, %dma_start3A_196] : memref<10240x64xf32, #tpu.memory_space<vmem_shared>> -> memref<10240x64xf32, #tpu.memory_space<vmem_shared>>
        tpu.enqueue_indirect_dma source(%arg15 : memref<125x64xf32, #tpu.memory_space<vmem>>) target(%dma_start3A_197 : memref<10240x64xf32, #tpu.memory_space<vmem_shared>>) offsets(%dma_start3A_194 : memref<125xi32, #tpu.memory_space<vmem>>) semaphore(%run_scoped3A : memref<!tpu.dma_semaphore, #tpu.memory_space<semaphore_mem>>) {add = true}
        %dma_wait3A_198 = arith.constant 0 : i32
        %dma_wait3A_199 = tpu.memref_slice %arg9[%add3A_123, %dma_wait3A_198] : memref<80x125xi32, #tpu.memory_space<vmem>> -> memref<1x125xi32, #tpu.memory_space<vmem>>
        %dma_wait3A_200 = tpu.memref_squeeze %dma_wait3A_199 : memref<1x125xi32, #tpu.memory_space<vmem>> -> memref<125xi32, #tpu.memory_space<vmem>>
        %dma_wait3A_201 = arith.constant 0 : i32
        %dma_wait3A_202 = arith.constant 0 : i32
        %dma_wait3A_203 = tpu.memref_slice %arg12[%dma_wait3A_201, %dma_wait3A_202] : memref<10240x64xf32, #tpu.memory_space<vmem_shared>> -> memref<10240x64xf32, #tpu.memory_space<vmem_shared>>
        tpu.wait_indirect_dma semaphore(%run_scoped3A : memref<!tpu.dma_semaphore, #tpu.memory_space<semaphore_mem>>) src(%arg15 : memref<125x64xf32, #tpu.memory_space<vmem>>) dst(%dma_wait3A_203 : memref<10240x64xf32, #tpu.memory_space<vmem_shared>>)
        tpu.yield
      }) : () -> ()
      %add3A_124 = arith.constant 1 : i32
      %add3A_125 = arith.addi %add3A_79, %add3A_124 : i32
      %dma_wait3A_126 = arith.constant 0 : i32
      %dma_wait3A_127 = tpu.memref_slice %arg9[%add3A_125, %dma_wait3A_126] : memref<80x125xi32, #tpu.memory_space<vmem>> -> memref<1x125xi32, #tpu.memory_space<vmem>>
      %dma_wait3A_128 = tpu.memref_squeeze %dma_wait3A_127 : memref<1x125xi32, #tpu.memory_space<vmem>> -> memref<125xi32, #tpu.memory_space<vmem>>
      %dma_wait3A_129 = arith.constant 0 : i32
      %dma_wait3A_130 = arith.constant 0 : i32
      %dma_wait3A_131 = tpu.memref_slice %arg3[%dma_wait3A_129, %dma_wait3A_130] : memref<10000x16xf32, #tpu.memory_space<hbm>> -> memref<10000x16xf32, #tpu.memory_space<hbm>>
      tpu.wait_indirect_dma semaphore(%arg27 : memref<!tpu.dma_semaphore, #tpu.memory_space<semaphore_mem>>) src(%dma_wait3A_131 : memref<10000x16xf32, #tpu.memory_space<hbm>>) dst(%arg19 : memref<125x16xf32, #tpu.memory_space<vmem>>)
      %add3A_132 = arith.constant 1 : i32
      %add3A_133 = arith.addi %add3A_79, %add3A_132 : i32
      "tpu.region"() ({
        %run_scoped3A = tpu.sem_alloc : memref<!tpu.dma_semaphore, #tpu.memory_space<semaphore_mem>>
        %dma_start3A_192 = arith.constant 0 : i32
        %dma_start3A_193 = tpu.memref_slice %arg8[%add3A_133, %dma_start3A_192] : memref<80x125xi32, #tpu.memory_space<vmem>> -> memref<1x125xi32, #tpu.memory_space<vmem>>
        %dma_start3A_194 = tpu.memref_squeeze %dma_start3A_193 : memref<1x125xi32, #tpu.memory_space<vmem>> -> memref<125xi32, #tpu.memory_space<vmem>>
        %dma_start3A_195 = arith.constant 0 : i32
        %dma_start3A_196 = arith.constant 0 : i32
        %dma_start3A_197 = tpu.memref_slice %arg13[%dma_start3A_195, %dma_start3A_196] : memref<10240x16xf32, #tpu.memory_space<vmem_shared>> -> memref<10240x16xf32, #tpu.memory_space<vmem_shared>>
        tpu.enqueue_indirect_dma source(%arg19 : memref<125x16xf32, #tpu.memory_space<vmem>>) target(%dma_start3A_197 : memref<10240x16xf32, #tpu.memory_space<vmem_shared>>) offsets(%dma_start3A_194 : memref<125xi32, #tpu.memory_space<vmem>>) semaphore(%run_scoped3A : memref<!tpu.dma_semaphore, #tpu.memory_space<semaphore_mem>>) {add = true}
        %dma_wait3A_198 = arith.constant 0 : i32
        %dma_wait3A_199 = tpu.memref_slice %arg8[%add3A_133, %dma_wait3A_198] : memref<80x125xi32, #tpu.memory_space<vmem>> -> memref<1x125xi32, #tpu.memory_space<vmem>>
        %dma_wait3A_200 = tpu.memref_squeeze %dma_wait3A_199 : memref<1x125xi32, #tpu.memory_space<vmem>> -> memref<125xi32, #tpu.memory_space<vmem>>
        %dma_wait3A_201 = arith.constant 0 : i32
        %dma_wait3A_202 = arith.constant 0 : i32
        %dma_wait3A_203 = tpu.memref_slice %arg13[%dma_wait3A_201, %dma_wait3A_202] : memref<10240x16xf32, #tpu.memory_space<vmem_shared>> -> memref<10240x16xf32, #tpu.memory_space<vmem_shared>>
        tpu.wait_indirect_dma semaphore(%run_scoped3A : memref<!tpu.dma_semaphore, #tpu.memory_space<semaphore_mem>>) src(%arg19 : memref<125x16xf32, #tpu.memory_space<vmem>>) dst(%dma_wait3A_203 : memref<10240x16xf32, #tpu.memory_space<vmem_shared>>)
        tpu.yield
      }) : () -> ()
      %add3A_134 = arith.constant 2 : i32
      %add3A_135 = arith.addi %add3A_79, %add3A_134 : i32
      %add3A_136 = arith.constant 3 : i32
      %add3A_137 = arith.addi %add3A_135, %add3A_136 : i32
      %lt3A_138 = arith.constant 80 : i32
      %lt3A_139 = arith.cmpi slt, %add3A_137, %lt3A_138 : i32
      %convert_element_type3A_140 = arith.extui %lt3A_139 : i1 to i32
      %cond3A_141 = arith.constant 0 : i32
      %cond3A_142 = arith.cmpi ne, %convert_element_type3A_140, %cond3A_141 : i32
      scf.if %cond3A_142 {
        %dma_start3A_192 = arith.constant 0 : i32
        %dma_start3A_193 = tpu.memref_slice %arg8[%add3A_137, %dma_start3A_192] : memref<80x125xi32, #tpu.memory_space<vmem>> -> memref<1x125xi32, #tpu.memory_space<vmem>>
        %dma_start3A_194 = tpu.memref_squeeze %dma_start3A_193 : memref<1x125xi32, #tpu.memory_space<vmem>> -> memref<125xi32, #tpu.memory_space<vmem>>
        %dma_start3A_195 = arith.constant 0 : i32
        %dma_start3A_196 = arith.constant 0 : i32
        %dma_start3A_197 = tpu.memref_slice %arg2[%dma_start3A_195, %dma_start3A_196] : memref<10000x64xf32, #tpu.memory_space<hbm>> -> memref<10000x64xf32, #tpu.memory_space<hbm>>
        tpu.enqueue_indirect_dma source(%dma_start3A_197 : memref<10000x64xf32, #tpu.memory_space<hbm>>) target(%arg15 : memref<125x64xf32, #tpu.memory_space<vmem>>) offsets(%dma_start3A_194 : memref<125xi32, #tpu.memory_space<vmem>>) semaphore(%arg23 : memref<!tpu.dma_semaphore, #tpu.memory_space<semaphore_mem>>)
        %dma_start3A_198 = arith.constant 0 : i32
        %dma_start3A_199 = tpu.memref_slice %arg9[%add3A_137, %dma_start3A_198] : memref<80x125xi32, #tpu.memory_space<vmem>> -> memref<1x125xi32, #tpu.memory_space<vmem>>
        %dma_start3A_200 = tpu.memref_squeeze %dma_start3A_199 : memref<1x125xi32, #tpu.memory_space<vmem>> -> memref<125xi32, #tpu.memory_space<vmem>>
        %dma_start3A_201 = arith.constant 0 : i32
        %dma_start3A_202 = arith.constant 0 : i32
        %dma_start3A_203 = tpu.memref_slice %arg3[%dma_start3A_201, %dma_start3A_202] : memref<10000x16xf32, #tpu.memory_space<hbm>> -> memref<10000x16xf32, #tpu.memory_space<hbm>>
        tpu.enqueue_indirect_dma source(%dma_start3A_203 : memref<10000x16xf32, #tpu.memory_space<hbm>>) target(%arg19 : memref<125x16xf32, #tpu.memory_space<vmem>>) offsets(%dma_start3A_200 : memref<125xi32, #tpu.memory_space<vmem>>) semaphore(%arg27 : memref<!tpu.dma_semaphore, #tpu.memory_space<semaphore_mem>>)
      } else {
      }
      %add3A_143 = arith.constant 2 : i32
      %add3A_144 = arith.addi %add3A_79, %add3A_143 : i32
      %dma_wait3A_145 = arith.constant 0 : i32
      %dma_wait3A_146 = tpu.memref_slice %arg8[%add3A_144, %dma_wait3A_145] : memref<80x125xi32, #tpu.memory_space<vmem>> -> memref<1x125xi32, #tpu.memory_space<vmem>>
      %dma_wait3A_147 = tpu.memref_squeeze %dma_wait3A_146 : memref<1x125xi32, #tpu.memory_space<vmem>> -> memref<125xi32, #tpu.memory_space<vmem>>
      %dma_wait3A_148 = arith.constant 0 : i32
      %dma_wait3A_149 = arith.constant 0 : i32
      %dma_wait3A_150 = tpu.memref_slice %arg2[%dma_wait3A_148, %dma_wait3A_149] : memref<10000x64xf32, #tpu.memory_space<hbm>> -> memref<10000x64xf32, #tpu.memory_space<hbm>>
      tpu.wait_indirect_dma semaphore(%arg24 : memref<!tpu.dma_semaphore, #tpu.memory_space<semaphore_mem>>) src(%dma_wait3A_150 : memref<10000x64xf32, #tpu.memory_space<hbm>>) dst(%arg16 : memref<125x64xf32, #tpu.memory_space<vmem>>)
      %add3A_151 = arith.constant 2 : i32
      %add3A_152 = arith.addi %add3A_79, %add3A_151 : i32
      "tpu.region"() ({
        %run_scoped3A = tpu.sem_alloc : memref<!tpu.dma_semaphore, #tpu.memory_space<semaphore_mem>>
        %dma_start3A_192 = arith.constant 0 : i32
        %dma_start3A_193 = tpu.memref_slice %arg9[%add3A_152, %dma_start3A_192] : memref<80x125xi32, #tpu.memory_space<vmem>> -> memref<1x125xi32, #tpu.memory_space<vmem>>
        %dma_start3A_194 = tpu.memref_squeeze %dma_start3A_193 : memref<1x125xi32, #tpu.memory_space<vmem>> -> memref<125xi32, #tpu.memory_space<vmem>>
        %dma_start3A_195 = arith.constant 0 : i32
        %dma_start3A_196 = arith.constant 0 : i32
        %dma_start3A_197 = tpu.memref_slice %arg12[%dma_start3A_195, %dma_start3A_196] : memref<10240x64xf32, #tpu.memory_space<vmem_shared>> -> memref<10240x64xf32, #tpu.memory_space<vmem_shared>>
        tpu.enqueue_indirect_dma source(%arg16 : memref<125x64xf32, #tpu.memory_space<vmem>>) target(%dma_start3A_197 : memref<10240x64xf32, #tpu.memory_space<vmem_shared>>) offsets(%dma_start3A_194 : memref<125xi32, #tpu.memory_space<vmem>>) semaphore(%run_scoped3A : memref<!tpu.dma_semaphore, #tpu.memory_space<semaphore_mem>>) {add = true}
        %dma_wait3A_198 = arith.constant 0 : i32
        %dma_wait3A_199 = tpu.memref_slice %arg9[%add3A_152, %dma_wait3A_198] : memref<80x125xi32, #tpu.memory_space<vmem>> -> memref<1x125xi32, #tpu.memory_space<vmem>>
        %dma_wait3A_200 = tpu.memref_squeeze %dma_wait3A_199 : memref<1x125xi32, #tpu.memory_space<vmem>> -> memref<125xi32, #tpu.memory_space<vmem>>
        %dma_wait3A_201 = arith.constant 0 : i32
        %dma_wait3A_202 = arith.constant 0 : i32
        %dma_wait3A_203 = tpu.memref_slice %arg12[%dma_wait3A_201, %dma_wait3A_202] : memref<10240x64xf32, #tpu.memory_space<vmem_shared>> -> memref<10240x64xf32, #tpu.memory_space<vmem_shared>>
        tpu.wait_indirect_dma semaphore(%run_scoped3A : memref<!tpu.dma_semaphore, #tpu.memory_space<semaphore_mem>>) src(%arg16 : memref<125x64xf32, #tpu.memory_space<vmem>>) dst(%dma_wait3A_203 : memref<10240x64xf32, #tpu.memory_space<vmem_shared>>)
        tpu.yield
      }) : () -> ()
      %add3A_153 = arith.constant 2 : i32
      %add3A_154 = arith.addi %add3A_79, %add3A_153 : i32
      %dma_wait3A_155 = arith.constant 0 : i32
      %dma_wait3A_156 = tpu.memref_slice %arg9[%add3A_154, %dma_wait3A_155] : memref<80x125xi32, #tpu.memory_space<vmem>> -> memref<1x125xi32, #tpu.memory_space<vmem>>
      %dma_wait3A_157 = tpu.memref_squeeze %dma_wait3A_156 : memref<1x125xi32, #tpu.memory_space<vmem>> -> memref<125xi32, #tpu.memory_space<vmem>>
      %dma_wait3A_158 = arith.constant 0 : i32
      %dma_wait3A_159 = arith.constant 0 : i32
      %dma_wait3A_160 = tpu.memref_slice %arg3[%dma_wait3A_158, %dma_wait3A_159] : memref<10000x16xf32, #tpu.memory_space<hbm>> -> memref<10000x16xf32, #tpu.memory_space<hbm>>
      tpu.wait_indirect_dma semaphore(%arg28 : memref<!tpu.dma_semaphore, #tpu.memory_space<semaphore_mem>>) src(%dma_wait3A_160 : memref<10000x16xf32, #tpu.memory_space<hbm>>) dst(%arg20 : memref<125x16xf32, #tpu.memory_space<vmem>>)
      %add3A_161 = arith.constant 2 : i32
      %add3A_162 = arith.addi %add3A_79, %add3A_161 : i32
      "tpu.region"() ({
        %run_scoped3A = tpu.sem_alloc : memref<!tpu.dma_semaphore, #tpu.memory_space<semaphore_mem>>
        %dma_start3A_192 = arith.constant 0 : i32
        %dma_start3A_193 = tpu.memref_slice %arg8[%add3A_162, %dma_start3A_192] : memref<80x125xi32, #tpu.memory_space<vmem>> -> memref<1x125xi32, #tpu.memory_space<vmem>>
        %dma_start3A_194 = tpu.memref_squeeze %dma_start3A_193 : memref<1x125xi32, #tpu.memory_space<vmem>> -> memref<125xi32, #tpu.memory_space<vmem>>
        %dma_start3A_195 = arith.constant 0 : i32
        %dma_start3A_196 = arith.constant 0 : i32
        %dma_start3A_197 = tpu.memref_slice %arg13[%dma_start3A_195, %dma_start3A_196] : memref<10240x16xf32, #tpu.memory_space<vmem_shared>> -> memref<10240x16xf32, #tpu.memory_space<vmem_shared>>
        tpu.enqueue_indirect_dma source(%arg20 : memref<125x16xf32, #tpu.memory_space<vmem>>) target(%dma_start3A_197 : memref<10240x16xf32, #tpu.memory_space<vmem_shared>>) offsets(%dma_start3A_194 : memref<125xi32, #tpu.memory_space<vmem>>) semaphore(%run_scoped3A : memref<!tpu.dma_semaphore, #tpu.memory_space<semaphore_mem>>) {add = true}
        %dma_wait3A_198 = arith.constant 0 : i32
        %dma_wait3A_199 = tpu.memref_slice %arg8[%add3A_162, %dma_wait3A_198] : memref<80x125xi32, #tpu.memory_space<vmem>> -> memref<1x125xi32, #tpu.memory_space<vmem>>
        %dma_wait3A_200 = tpu.memref_squeeze %dma_wait3A_199 : memref<1x125xi32, #tpu.memory_space<vmem>> -> memref<125xi32, #tpu.memory_space<vmem>>
        %dma_wait3A_201 = arith.constant 0 : i32
        %dma_wait3A_202 = arith.constant 0 : i32
        %dma_wait3A_203 = tpu.memref_slice %arg13[%dma_wait3A_201, %dma_wait3A_202] : memref<10240x16xf32, #tpu.memory_space<vmem_shared>> -> memref<10240x16xf32, #tpu.memory_space<vmem_shared>>
        tpu.wait_indirect_dma semaphore(%run_scoped3A : memref<!tpu.dma_semaphore, #tpu.memory_space<semaphore_mem>>) src(%arg20 : memref<125x16xf32, #tpu.memory_space<vmem>>) dst(%dma_wait3A_203 : memref<10240x16xf32, #tpu.memory_space<vmem_shared>>)
        tpu.yield
      }) : () -> ()
      %add3A_163 = arith.constant 3 : i32
      %add3A_164 = arith.addi %add3A_79, %add3A_163 : i32
      %add3A_165 = arith.constant 3 : i32
      %add3A_166 = arith.addi %add3A_164, %add3A_165 : i32
      %lt3A_167 = arith.constant 80 : i32
      %lt3A_168 = arith.cmpi slt, %add3A_166, %lt3A_167 : i32
      %convert_element_type3A_169 = arith.extui %lt3A_168 : i1 to i32
      %cond3A_170 = arith.constant 0 : i32
      %cond3A_171 = arith.cmpi ne, %convert_element_type3A_169, %cond3A_170 : i32
      scf.if %cond3A_171 {
        %dma_start3A_192 = arith.constant 0 : i32
        %dma_start3A_193 = tpu.memref_slice %arg8[%add3A_166, %dma_start3A_192] : memref<80x125xi32, #tpu.memory_space<vmem>> -> memref<1x125xi32, #tpu.memory_space<vmem>>
        %dma_start3A_194 = tpu.memref_squeeze %dma_start3A_193 : memref<1x125xi32, #tpu.memory_space<vmem>> -> memref<125xi32, #tpu.memory_space<vmem>>
        %dma_start3A_195 = arith.constant 0 : i32
        %dma_start3A_196 = arith.constant 0 : i32
        %dma_start3A_197 = tpu.memref_slice %arg2[%dma_start3A_195, %dma_start3A_196] : memref<10000x64xf32, #tpu.memory_space<hbm>> -> memref<10000x64xf32, #tpu.memory_space<hbm>>
        tpu.enqueue_indirect_dma source(%dma_start3A_197 : memref<10000x64xf32, #tpu.memory_space<hbm>>) target(%arg16 : memref<125x64xf32, #tpu.memory_space<vmem>>) offsets(%dma_start3A_194 : memref<125xi32, #tpu.memory_space<vmem>>) semaphore(%arg24 : memref<!tpu.dma_semaphore, #tpu.memory_space<semaphore_mem>>)
        %dma_start3A_198 = arith.constant 0 : i32
        %dma_start3A_199 = tpu.memref_slice %arg9[%add3A_166, %dma_start3A_198] : memref<80x125xi32, #tpu.memory_space<vmem>> -> memref<1x125xi32, #tpu.memory_space<vmem>>
        %dma_start3A_200 = tpu.memref_squeeze %dma_start3A_199 : memref<1x125xi32, #tpu.memory_space<vmem>> -> memref<125xi32, #tpu.memory_space<vmem>>
        %dma_start3A_201 = arith.constant 0 : i32
        %dma_start3A_202 = arith.constant 0 : i32
        %dma_start3A_203 = tpu.memref_slice %arg3[%dma_start3A_201, %dma_start3A_202] : memref<10000x16xf32, #tpu.memory_space<hbm>> -> memref<10000x16xf32, #tpu.memory_space<hbm>>
        tpu.enqueue_indirect_dma source(%dma_start3A_203 : memref<10000x16xf32, #tpu.memory_space<hbm>>) target(%arg20 : memref<125x16xf32, #tpu.memory_space<vmem>>) offsets(%dma_start3A_200 : memref<125xi32, #tpu.memory_space<vmem>>) semaphore(%arg28 : memref<!tpu.dma_semaphore, #tpu.memory_space<semaphore_mem>>)
      } else {
      }
      %add3A_172 = arith.constant 3 : i32
      %add3A_173 = arith.addi %add3A_79, %add3A_172 : i32
      %dma_wait3A_174 = arith.constant 0 : i32
      %dma_wait3A_175 = tpu.memref_slice %arg8[%add3A_173, %dma_wait3A_174] : memref<80x125xi32, #tpu.memory_space<vmem>> -> memref<1x125xi32, #tpu.memory_space<vmem>>
      %dma_wait3A_176 = tpu.memref_squeeze %dma_wait3A_175 : memref<1x125xi32, #tpu.memory_space<vmem>> -> memref<125xi32, #tpu.memory_space<vmem>>
      %dma_wait3A_177 = arith.constant 0 : i32
      %dma_wait3A_178 = arith.constant 0 : i32
      %dma_wait3A_179 = tpu.memref_slice %arg2[%dma_wait3A_177, %dma_wait3A_178] : memref<10000x64xf32, #tpu.memory_space<hbm>> -> memref<10000x64xf32, #tpu.memory_space<hbm>>
      tpu.wait_indirect_dma semaphore(%arg25 : memref<!tpu.dma_semaphore, #tpu.memory_space<semaphore_mem>>) src(%dma_wait3A_179 : memref<10000x64xf32, #tpu.memory_space<hbm>>) dst(%arg17 : memref<125x64xf32, #tpu.memory_space<vmem>>)
      %add3A_180 = arith.constant 3 : i32
      %add3A_181 = arith.addi %add3A_79, %add3A_180 : i32
      "tpu.region"() ({
        %run_scoped3A = tpu.sem_alloc : memref<!tpu.dma_semaphore, #tpu.memory_space<semaphore_mem>>
        %dma_start3A_192 = arith.constant 0 : i32
        %dma_start3A_193 = tpu.memref_slice %arg9[%add3A_181, %dma_start3A_192] : memref<80x125xi32, #tpu.memory_space<vmem>> -> memref<1x125xi32, #tpu.memory_space<vmem>>
        %dma_start3A_194 = tpu.memref_squeeze %dma_start3A_193 : memref<1x125xi32, #tpu.memory_space<vmem>> -> memref<125xi32, #tpu.memory_space<vmem>>
        %dma_start3A_195 = arith.constant 0 : i32
        %dma_start3A_196 = arith.constant 0 : i32
        %dma_start3A_197 = tpu.memref_slice %arg12[%dma_start3A_195, %dma_start3A_196] : memref<10240x64xf32, #tpu.memory_space<vmem_shared>> -> memref<10240x64xf32, #tpu.memory_space<vmem_shared>>
        tpu.enqueue_indirect_dma source(%arg17 : memref<125x64xf32, #tpu.memory_space<vmem>>) target(%dma_start3A_197 : memref<10240x64xf32, #tpu.memory_space<vmem_shared>>) offsets(%dma_start3A_194 : memref<125xi32, #tpu.memory_space<vmem>>) semaphore(%run_scoped3A : memref<!tpu.dma_semaphore, #tpu.memory_space<semaphore_mem>>) {add = true}
        %dma_wait3A_198 = arith.constant 0 : i32
        %dma_wait3A_199 = tpu.memref_slice %arg9[%add3A_181, %dma_wait3A_198] : memref<80x125xi32, #tpu.memory_space<vmem>> -> memref<1x125xi32, #tpu.memory_space<vmem>>
        %dma_wait3A_200 = tpu.memref_squeeze %dma_wait3A_199 : memref<1x125xi32, #tpu.memory_space<vmem>> -> memref<125xi32, #tpu.memory_space<vmem>>
        %dma_wait3A_201 = arith.constant 0 : i32
        %dma_wait3A_202 = arith.constant 0 : i32
        %dma_wait3A_203 = tpu.memref_slice %arg12[%dma_wait3A_201, %dma_wait3A_202] : memref<10240x64xf32, #tpu.memory_space<vmem_shared>> -> memref<10240x64xf32, #tpu.memory_space<vmem_shared>>
        tpu.wait_indirect_dma semaphore(%run_scoped3A : memref<!tpu.dma_semaphore, #tpu.memory_space<semaphore_mem>>) src(%arg17 : memref<125x64xf32, #tpu.memory_space<vmem>>) dst(%dma_wait3A_203 : memref<10240x64xf32, #tpu.memory_space<vmem_shared>>)
        tpu.yield
      }) : () -> ()
      %add3A_182 = arith.constant 3 : i32
      %add3A_183 = arith.addi %add3A_79, %add3A_182 : i32
      %dma_wait3A_184 = arith.constant 0 : i32
      %dma_wait3A_185 = tpu.memref_slice %arg9[%add3A_183, %dma_wait3A_184] : memref<80x125xi32, #tpu.memory_space<vmem>> -> memref<1x125xi32, #tpu.memory_space<vmem>>
      %dma_wait3A_186 = tpu.memref_squeeze %dma_wait3A_185 : memref<1x125xi32, #tpu.memory_space<vmem>> -> memref<125xi32, #tpu.memory_space<vmem>>
      %dma_wait3A_187 = arith.constant 0 : i32
      %dma_wait3A_188 = arith.constant 0 : i32
      %dma_wait3A_189 = tpu.memref_slice %arg3[%dma_wait3A_187, %dma_wait3A_188] : memref<10000x16xf32, #tpu.memory_space<hbm>> -> memref<10000x16xf32, #tpu.memory_space<hbm>>
      tpu.wait_indirect_dma semaphore(%arg29 : memref<!tpu.dma_semaphore, #tpu.memory_space<semaphore_mem>>) src(%dma_wait3A_189 : memref<10000x16xf32, #tpu.memory_space<hbm>>) dst(%arg21 : memref<125x16xf32, #tpu.memory_space<vmem>>)
      %add3A_190 = arith.constant 3 : i32
      %add3A_191 = arith.addi %add3A_79, %add3A_190 : i32
      "tpu.region"() ({
        %run_scoped3A = tpu.sem_alloc : memref<!tpu.dma_semaphore, #tpu.memory_space<semaphore_mem>>
        %dma_start3A_192 = arith.constant 0 : i32
        %dma_start3A_193 = tpu.memref_slice %arg8[%add3A_191, %dma_start3A_192] : memref<80x125xi32, #tpu.memory_space<vmem>> -> memref<1x125xi32, #tpu.memory_space<vmem>>
        %dma_start3A_194 = tpu.memref_squeeze %dma_start3A_193 : memref<1x125xi32, #tpu.memory_space<vmem>> -> memref<125xi32, #tpu.memory_space<vmem>>
        %dma_start3A_195 = arith.constant 0 : i32
        %dma_start3A_196 = arith.constant 0 : i32
        %dma_start3A_197 = tpu.memref_slice %arg13[%dma_start3A_195, %dma_start3A_196] : memref<10240x16xf32, #tpu.memory_space<vmem_shared>> -> memref<10240x16xf32, #tpu.memory_space<vmem_shared>>
        tpu.enqueue_indirect_dma source(%arg21 : memref<125x16xf32, #tpu.memory_space<vmem>>) target(%dma_start3A_197 : memref<10240x16xf32, #tpu.memory_space<vmem_shared>>) offsets(%dma_start3A_194 : memref<125xi32, #tpu.memory_space<vmem>>) semaphore(%run_scoped3A : memref<!tpu.dma_semaphore, #tpu.memory_space<semaphore_mem>>) {add = true}
        %dma_wait3A_198 = arith.constant 0 : i32
        %dma_wait3A_199 = tpu.memref_slice %arg8[%add3A_191, %dma_wait3A_198] : memref<80x125xi32, #tpu.memory_space<vmem>> -> memref<1x125xi32, #tpu.memory_space<vmem>>
        %dma_wait3A_200 = tpu.memref_squeeze %dma_wait3A_199 : memref<1x125xi32, #tpu.memory_space<vmem>> -> memref<125xi32, #tpu.memory_space<vmem>>
        %dma_wait3A_201 = arith.constant 0 : i32
        %dma_wait3A_202 = arith.constant 0 : i32
        %dma_wait3A_203 = tpu.memref_slice %arg13[%dma_wait3A_201, %dma_wait3A_202] : memref<10240x16xf32, #tpu.memory_space<vmem_shared>> -> memref<10240x16xf32, #tpu.memory_space<vmem_shared>>
        tpu.wait_indirect_dma semaphore(%run_scoped3A : memref<!tpu.dma_semaphore, #tpu.memory_space<semaphore_mem>>) src(%arg21 : memref<125x16xf32, #tpu.memory_space<vmem>>) dst(%dma_wait3A_203 : memref<10240x16xf32, #tpu.memory_space<vmem_shared>>)
        tpu.yield
      }) : () -> ()
    }
    %scan3A_65 = arith.constant 20 : i32
    %barrier3A_66 = arith.constant 0 : index
    tpu.barrier barrier_id(%barrier3A_66)
    %mul3A_67 = arith.constant 640 : i32
    %mul3A_68 = arith.muli %arg1, %mul3A_67 : i32
    %mul3A_69 = arith.constant 640 : i32
    %mul3A_70 = arith.muli %arg1, %mul3A_69 : i32
    "tpu.region"() ({
      %run_scoped3A = tpu.sem_alloc : memref<!tpu.dma_semaphore, #tpu.memory_space<semaphore_mem>>
      %dma_start3A_75 = arith.constant 0 : i32
      %dma_start3A_76 = tpu.memref_slice %arg6[%arg0, %mul3A_70, %dma_start3A_75] : memref<2x10240x64xf32, #tpu.memory_space<hbm>> -> memref<1x640x64xf32, #tpu.memory_space<hbm>>
      %dma_start3A_77 = tpu.memref_squeeze %dma_start3A_76 : memref<1x640x64xf32, #tpu.memory_space<hbm>> -> memref<640x64xf32, #tpu.memory_space<hbm>>
      %dma_start3A_78 = arith.constant 0 : i32
      %dma_start3A_79 = tpu.memref_slice %arg12[%mul3A_68, %dma_start3A_78] : memref<10240x64xf32, #tpu.memory_space<vmem_shared>> -> memref<640x64xf32, #tpu.memory_space<vmem_shared>>
      tpu.enqueue_dma source(%dma_start3A_79 : memref<640x64xf32, #tpu.memory_space<vmem_shared>>) target(%dma_start3A_77 : memref<640x64xf32, #tpu.memory_space<hbm>>) target_semaphore(%run_scoped3A : memref<!tpu.dma_semaphore, #tpu.memory_space<semaphore_mem>>)
      %dma_wait3A = arith.constant 0 : i32
      %dma_wait3A_80 = tpu.memref_slice %arg6[%arg0, %mul3A_70, %dma_wait3A] : memref<2x10240x64xf32, #tpu.memory_space<hbm>> -> memref<1x640x64xf32, #tpu.memory_space<hbm>>
      %dma_wait3A_81 = tpu.memref_squeeze %dma_wait3A_80 : memref<1x640x64xf32, #tpu.memory_space<hbm>> -> memref<640x64xf32, #tpu.memory_space<hbm>>
      %dma_wait3A_82 = arith.constant 0 : i32
      %dma_wait3A_83 = tpu.memref_slice %arg12[%mul3A_68, %dma_wait3A_82] : memref<10240x64xf32, #tpu.memory_space<vmem_shared>> -> memref<640x64xf32, #tpu.memory_space<vmem_shared>>
      tpu.wait_dma2 semaphore(%run_scoped3A : memref<!tpu.dma_semaphore, #tpu.memory_space<semaphore_mem>>) src(%dma_wait3A_83 : memref<640x64xf32, #tpu.memory_space<vmem_shared>>) dst(%dma_wait3A_81 : memref<640x64xf32, #tpu.memory_space<hbm>>)
      tpu.yield
    }) : () -> ()
    %mul3A_71 = arith.constant 640 : i32
    %mul3A_72 = arith.muli %arg1, %mul3A_71 : i32
    %mul3A_73 = arith.constant 640 : i32
    %mul3A_74 = arith.muli %arg1, %mul3A_73 : i32
    "tpu.region"() ({
      %run_scoped3A = tpu.sem_alloc : memref<!tpu.dma_semaphore, #tpu.memory_space<semaphore_mem>>
      %dma_start3A_75 = arith.constant 0 : i32
      %dma_start3A_76 = tpu.memref_slice %arg7[%arg0, %mul3A_74, %dma_start3A_75] : memref<2x10240x16xf32, #tpu.memory_space<hbm>> -> memref<1x640x16xf32, #tpu.memory_space<hbm>>
      %dma_start3A_77 = tpu.memref_squeeze %dma_start3A_76 : memref<1x640x16xf32, #tpu.memory_space<hbm>> -> memref<640x16xf32, #tpu.memory_space<hbm>>
      %dma_start3A_78 = arith.constant 0 : i32
      %dma_start3A_79 = tpu.memref_slice %arg13[%mul3A_72, %dma_start3A_78] : memref<10240x16xf32, #tpu.memory_space<vmem_shared>> -> memref<640x16xf32, #tpu.memory_space<vmem_shared>>
      tpu.enqueue_dma source(%dma_start3A_79 : memref<640x16xf32, #tpu.memory_space<vmem_shared>>) target(%dma_start3A_77 : memref<640x16xf32, #tpu.memory_space<hbm>>) target_semaphore(%run_scoped3A : memref<!tpu.dma_semaphore, #tpu.memory_space<semaphore_mem>>)
      %dma_wait3A = arith.constant 0 : i32
      %dma_wait3A_80 = tpu.memref_slice %arg7[%arg0, %mul3A_74, %dma_wait3A] : memref<2x10240x16xf32, #tpu.memory_space<hbm>> -> memref<1x640x16xf32, #tpu.memory_space<hbm>>
      %dma_wait3A_81 = tpu.memref_squeeze %dma_wait3A_80 : memref<1x640x16xf32, #tpu.memory_space<hbm>> -> memref<640x16xf32, #tpu.memory_space<hbm>>
      %dma_wait3A_82 = arith.constant 0 : i32
      %dma_wait3A_83 = tpu.memref_slice %arg13[%mul3A_72, %dma_wait3A_82] : memref<10240x16xf32, #tpu.memory_space<vmem_shared>> -> memref<640x16xf32, #tpu.memory_space<vmem_shared>>
      tpu.wait_dma2 semaphore(%run_scoped3A : memref<!tpu.dma_semaphore, #tpu.memory_space<semaphore_mem>>) src(%dma_wait3A_83 : memref<640x16xf32, #tpu.memory_space<vmem_shared>>) dst(%dma_wait3A_81 : memref<640x16xf32, #tpu.memory_space<hbm>>)
      tpu.yield
    }) : () -> ()
    return
  }
}

module attributes {stable_mosaic.version = 14 : i64} {
  func.func @_tc_a_body(%arg0: i32, %arg1: memref<1000x128xf32, #tpu.memory_space<vmem>>, %arg2: memref<128x64xf32, #tpu.memory_space<vmem>>, %arg3: memref<1000x8xf32, #tpu.memory_space<vmem>>, %arg4: memref<1000x8xf32, #tpu.memory_space<vmem>>, %arg5: memref<1000x1xi32, #tpu.memory_space<vmem>>, %arg6: memref<1000x64xf32, #tpu.memory_space<vmem>>, %arg7: memref<1000x64xf32, #tpu.memory_space<vmem>>, %arg8: memref<1000x1xf32, #tpu.memory_space<vmem>>, %arg9: memref<1000x16xf32, #tpu.memory_space<vmem>>) attributes {dimension_semantics = [#tpu.dimension_semantics<arbitrary>], iteration_bounds = array<i64: 10>, scalar_prefetch = 0 : i64, scratch_operands = 0 : i64, tpu.core_type = #tpu.core_type<tc>, window_params = [{transform_indices = @transform_0, window_bounds = array<i64: 1000, 128>}, {pipeline_mode = #tpu.pipeline_mode<synchronous>, transform_indices = @transform_1, window_bounds = array<i64: 128, 64>}, {transform_indices = @transform_2, window_bounds = array<i64: 1000, 8>}, {transform_indices = @transform_3, window_bounds = array<i64: 1000, 8>}, {transform_indices = @transform_4, window_bounds = array<i64: 1000, 1>}, {transform_indices = @transform_5, window_bounds = array<i64: 1000, 64>}, {transform_indices = @transform_6, window_bounds = array<i64: 1000, 64>}, {transform_indices = @transform_7, window_bounds = array<i64: 1000, 1>}, {transform_indices = @transform_8, window_bounds = array<i64: 1000, 16>}]} {
    %get3A = arith.constant 0 : index
    %get3A_0 = arith.constant 0 : index
    %get3A_1 = vector.load %arg1[%get3A, %get3A_0] : memref<1000x128xf32, #tpu.memory_space<vmem>>, vector<1000x128xf32>
    %get3A_2 = arith.constant 0 : index
    %get3A_3 = arith.constant 0 : index
    %get3A_4 = vector.load %arg2[%get3A_2, %get3A_3] : memref<128x64xf32, #tpu.memory_space<vmem>>, vector<128x64xf32>
    %dot_general3A = arith.constant dense<0.000000e+00> : vector<1000x64xf32>
    %dot_general3A_5 = tpu.matmul %get3A_1, %get3A_4, %dot_general3A {dimension_numbers = #tpu.dot_dimension_numbers<[1], [0], [0], [1], [0, 0, 1, 1], [], []>, transpose_lhs_hint = false} : vector<1000x128xf32>, vector<128x64xf32>, vector<1000x64xf32> -> vector<1000x64xf32>
    %get3A_6 = arith.constant 0 : index
    %get3A_7 = arith.constant 0 : index
    %get3A_8 = vector.load %arg3[%get3A_6, %get3A_7] : memref<1000x8xf32, #tpu.memory_space<vmem>>, vector<1000x8xf32>
    %slice3A = vector.extract_strided_slice %get3A_8 {offsets = [0, 0], sizes = [1000, 1], strides = [1, 1]} : vector<1000x8xf32> to vector<1000x1xf32>
    %get3A_9 = arith.constant 0 : index
    %get3A_10 = arith.constant 0 : index
    %get3A_11 = vector.load %arg4[%get3A_9, %get3A_10] : memref<1000x8xf32, #tpu.memory_space<vmem>>, vector<1000x8xf32>
    %slice3A_12 = vector.extract_strided_slice %get3A_11 {offsets = [0, 0], sizes = [1000, 1], strides = [1, 1]} : vector<1000x8xf32> to vector<1000x1xf32>
    %add3A = arith.addf %slice3A, %slice3A_12 : vector<1000x1xf32>
    %add3A_13 = arith.constant 1.000000e+00 : f32
    %add3A_14 = vector.broadcast %add3A_13 : f32 to vector<1000x1xf32>
    %add3A_15 = arith.addf %add3A, %add3A_14 : vector<1000x1xf32>
    %rsqrt3A = math.rsqrt %add3A_15 : vector<1000x1xf32>
    %iota3A = tpu.iota {dimensions = array<i32: 1>} : vector<1000x16xi32>
    %get3A_16 = arith.constant 0 : index
    %get3A_17 = arith.constant 0 : index
    %get3A_18 = vector.load %arg5[%get3A_16, %get3A_17] : memref<1000x1xi32, #tpu.memory_space<vmem>>, vector<1000x1xi32>
    %eq3A = vector.broadcast %get3A_18 : vector<1000x1xi32> to vector<1000x16xi32>
    %eq3A_19 = arith.cmpi eq, %eq3A, %iota3A : vector<1000x16xi32>
    %convert_element_type3A = arith.extui %eq3A_19 : vector<1000x16xi1> to vector<1000x16xi32>
    %convert_element_type3A_20 = arith.sitofp %convert_element_type3A : vector<1000x16xi32> to vector<1000x16xf32>
    %swap3A = arith.constant 0 : index
    %swap3A_21 = arith.constant 0 : index
    %swap3A_22 = vector.load %arg6[%swap3A, %swap3A_21] : memref<1000x64xf32, #tpu.memory_space<vmem>>, vector<1000x64xf32>
    tpu.vector_store %arg6[%swap3A, %swap3A_21], %dot_general3A_5 {strides = array<i32>} : memref<1000x64xf32, #tpu.memory_space<vmem>>, vector<1000x64xf32>,
    %swap3A_23 = arith.constant 0 : index
    %swap3A_24 = arith.constant 0 : index
    %swap3A_25 = vector.load %arg8[%swap3A_23, %swap3A_24] : memref<1000x1xf32, #tpu.memory_space<vmem>>, vector<1000x1xf32>
    tpu.vector_store %arg8[%swap3A_23, %swap3A_24], %rsqrt3A {strides = array<i32>} : memref<1000x1xf32, #tpu.memory_space<vmem>>, vector<1000x1xf32>,
    %mul3A = vector.broadcast %rsqrt3A : vector<1000x1xf32> to vector<1000x64xf32>
    %mul3A_26 = arith.mulf %dot_general3A_5, %mul3A : vector<1000x64xf32>
    %swap3A_27 = arith.constant 0 : index
    %swap3A_28 = arith.constant 0 : index
    %swap3A_29 = vector.load %arg7[%swap3A_27, %swap3A_28] : memref<1000x64xf32, #tpu.memory_space<vmem>>, vector<1000x64xf32>
    tpu.vector_store %arg7[%swap3A_27, %swap3A_28], %mul3A_26 {strides = array<i32>} : memref<1000x64xf32, #tpu.memory_space<vmem>>, vector<1000x64xf32>,
    %mul3A_30 = vector.broadcast %rsqrt3A : vector<1000x1xf32> to vector<1000x16xf32>
    %mul3A_31 = arith.mulf %convert_element_type3A_20, %mul3A_30 : vector<1000x16xf32>
    %swap3A_32 = arith.constant 0 : index
    %swap3A_33 = arith.constant 0 : index
    %swap3A_34 = vector.load %arg9[%swap3A_32, %swap3A_33] : memref<1000x16xf32, #tpu.memory_space<vmem>>, vector<1000x16xf32>
    tpu.vector_store %arg9[%swap3A_32, %swap3A_33], %mul3A_31 {strides = array<i32>} : memref<1000x16xf32, #tpu.memory_space<vmem>>, vector<1000x16xf32>,
    return
  }
  func.func @transform_0(%arg0: i32) -> (i32, i32) {
    %c0_i32 = arith.constant 0 : i32
    %c0_i32_0 = arith.constant 0 : i32
    return %arg0, %c0_i32 : i32, i32
  }
  func.func @transform_1(%arg0: i32) -> (i32, i32) {
    %c0_i32 = arith.constant 0 : i32
    %c0_i32_0 = arith.constant 0 : i32
    %c0_i32_1 = arith.constant 0 : i32
    return %c0_i32, %c0_i32_0 : i32, i32
  }
  func.func @transform_2(%arg0: i32) -> (i32, i32) {
    %c0_i32 = arith.constant 0 : i32
    %c0_i32_0 = arith.constant 0 : i32
    return %arg0, %c0_i32 : i32, i32
  }
  func.func @transform_3(%arg0: i32) -> (i32, i32) {
    %c0_i32 = arith.constant 0 : i32
    %c0_i32_0 = arith.constant 0 : i32
    return %arg0, %c0_i32 : i32, i32
  }
  func.func @transform_4(%arg0: i32) -> (i32, i32) {
    %c0_i32 = arith.constant 0 : i32
    %c0_i32_0 = arith.constant 0 : i32
    return %arg0, %c0_i32 : i32, i32
  }
  func.func @transform_5(%arg0: i32) -> (i32, i32) {
    %c0_i32 = arith.constant 0 : i32
    %c0_i32_0 = arith.constant 0 : i32
    return %arg0, %c0_i32 : i32, i32
  }
  func.func @transform_6(%arg0: i32) -> (i32, i32) {
    %c0_i32 = arith.constant 0 : i32
    %c0_i32_0 = arith.constant 0 : i32
    return %arg0, %c0_i32 : i32, i32
  }
  func.func @transform_7(%arg0: i32) -> (i32, i32) {
    %c0_i32 = arith.constant 0 : i32
    %c0_i32_0 = arith.constant 0 : i32
    return %arg0, %c0_i32 : i32, i32
  }
  func.func @transform_8(%arg0: i32) -> (i32, i32) {
    %c0_i32 = arith.constant 0 : i32
    %c0_i32_0 = arith.constant 0 : i32
    return %arg0, %c0_i32 : i32, i32
  }
}

module attributes {stable_mosaic.version = 14 : i64} {
  func.func @_tc_c_body(%arg0: memref<10240x64xf32, #tpu.memory_space<vmem>>, %arg1: memref<10240x64xf32, #tpu.memory_space<vmem>>, %arg2: memref<10240x16xf32, #tpu.memory_space<vmem>>, %arg3: memref<10240x16xf32, #tpu.memory_space<vmem>>, %arg4: memref<10000x64xf32, #tpu.memory_space<vmem>>, %arg5: memref<10000x1xf32, #tpu.memory_space<vmem>>, %arg6: memref<10000x16xf32, #tpu.memory_space<vmem>>, %arg7: memref<1x10000xi32, #tpu.memory_space<vmem>>, %arg8: memref<1x64xf32, #tpu.memory_space<vmem>>, %arg9: memref<64x16xf32, #tpu.memory_space<vmem>>, %arg10: memref<1x16xf32, #tpu.memory_space<vmem>>, %arg11: memref<16x16xf32, #tpu.memory_space<vmem>>) attributes {dimension_semantics = [], scalar_prefetch = 0 : i64, scratch_operands = 0 : i64, tpu.core_type = #tpu.core_type<tc>} {
    %get3A = arith.constant 0 : index
    %get3A_0 = arith.constant 0 : index
    %get3A_1 = vector.load %arg5[%get3A, %get3A_0] : memref<10000x1xf32, #tpu.memory_space<vmem>>, vector<10000x1xf32>
    %get3A_2 = arith.constant 0 : index
    %get3A_3 = arith.constant 0 : index
    %get3A_4 = vector.load %arg0[%get3A_2, %get3A_3] : memref<10240x64xf32, #tpu.memory_space<vmem>>, vector<10240x64xf32>
    %get3A_5 = arith.constant 0 : index
    %get3A_6 = arith.constant 0 : index
    %get3A_7 = vector.load %arg1[%get3A_5, %get3A_6] : memref<10240x64xf32, #tpu.memory_space<vmem>>, vector<10240x64xf32>
    %add3A = arith.addf %get3A_4, %get3A_7 : vector<10240x64xf32>
    %slice3A = vector.extract_strided_slice %add3A {offsets = [0, 0], sizes = [10000, 64], strides = [1, 1]} : vector<10240x64xf32> to vector<10000x64xf32>
    %mul3A = vector.broadcast %get3A_1 : vector<10000x1xf32> to vector<10000x64xf32>
    %mul3A_8 = arith.mulf %mul3A, %slice3A : vector<10000x64xf32>
    %mul3A_9 = arith.mulf %get3A_1, %get3A_1 : vector<10000x1xf32>
    %get3A_10 = arith.constant 0 : index
    %get3A_11 = arith.constant 0 : index
    %get3A_12 = vector.load %arg4[%get3A_10, %get3A_11] : memref<10000x64xf32, #tpu.memory_space<vmem>>, vector<10000x64xf32>
    %mul3A_13 = vector.broadcast %mul3A_9 : vector<10000x1xf32> to vector<10000x64xf32>
    %mul3A_14 = arith.mulf %mul3A_13, %get3A_12 : vector<10000x64xf32>
    %add3A_15 = arith.addf %mul3A_8, %mul3A_14 : vector<10000x64xf32>
    %get3A_16 = arith.constant 0 : index
    %get3A_17 = arith.constant 0 : index
    %get3A_18 = vector.load %arg8[%get3A_16, %get3A_17] : memref<1x64xf32, #tpu.memory_space<vmem>>, vector<1x64xf32>
    %add3A_19 = vector.broadcast %get3A_18 : vector<1x64xf32> to vector<10000x64xf32>
    %add3A_20 = arith.addf %add3A_15, %add3A_19 : vector<10000x64xf32>
    %max3A = arith.constant 0.000000e+00 : f32
    %max3A_21 = vector.broadcast %max3A : f32 to vector<10000x64xf32>
    %max3A_22 = arith.maximumf %add3A_20, %max3A_21 : vector<10000x64xf32>
    %mul3A_23 = vector.broadcast %get3A_1 : vector<10000x1xf32> to vector<10000x64xf32>
    %mul3A_24 = arith.mulf %mul3A_23, %max3A_22 : vector<10000x64xf32>
    %get3A_25 = arith.constant 0 : index
    %get3A_26 = arith.constant 0 : index
    %get3A_27 = vector.load %arg2[%get3A_25, %get3A_26] : memref<10240x16xf32, #tpu.memory_space<vmem>>, vector<10240x16xf32>
    %get3A_28 = arith.constant 0 : index
    %get3A_29 = arith.constant 0 : index
    %get3A_30 = vector.load %arg3[%get3A_28, %get3A_29] : memref<10240x16xf32, #tpu.memory_space<vmem>>, vector<10240x16xf32>
    %add3A_31 = arith.addf %get3A_27, %get3A_30 : vector<10240x16xf32>
    %slice3A_32 = vector.extract_strided_slice %add3A_31 {offsets = [0, 0], sizes = [10000, 16], strides = [1, 1]} : vector<10240x16xf32> to vector<10000x16xf32>
    %get3A_33 = arith.constant 0 : index
    %get3A_34 = arith.constant 0 : index
    %get3A_35 = vector.load %arg6[%get3A_33, %get3A_34] : memref<10000x16xf32, #tpu.memory_space<vmem>>, vector<10000x16xf32>
    %add3A_36 = arith.addf %slice3A_32, %get3A_35 : vector<10000x16xf32>
    %dot_general3A = arith.constant dense<0.000000e+00> : vector<16x64xf32>
    %dot_general3A_37 = tpu.matmul %add3A_36, %mul3A_24, %dot_general3A {dimension_numbers = #tpu.dot_dimension_numbers<[0], [0], [1], [1], [0, 1, 1, 1], [], []>, transpose_lhs_hint = false} : vector<10000x16xf32>, vector<10000x64xf32>, vector<16x64xf32> -> vector<16x64xf32>
    %iota3A = tpu.iota {dimensions = array<i32: 0>} : vector<16x10000xi32>
    %get3A_38 = arith.constant 0 : index
    %get3A_39 = arith.constant 0 : index
    %get3A_40 = vector.load %arg7[%get3A_38, %get3A_39] : memref<1x10000xi32, #tpu.memory_space<vmem>>, vector<1x10000xi32>
    %eq3A = vector.broadcast %get3A_40 : vector<1x10000xi32> to vector<16x10000xi32>
    %eq3A_41 = arith.cmpi eq, %eq3A, %iota3A : vector<16x10000xi32>
    %convert_element_type3A = arith.extui %eq3A_41 : vector<16x10000xi1> to vector<16x10000xi32>
    %convert_element_type3A_42 = arith.sitofp %convert_element_type3A : vector<16x10000xi32> to vector<16x10000xf32>
    %broadcast_in_dim3A = arith.constant 1.000000e+00 : f32
    %broadcast_in_dim3A_43 = vector.broadcast %broadcast_in_dim3A : f32 to vector<10000x1xf32>
    %dot_general3A_44 = arith.constant dense<0.000000e+00> : vector<16x1xf32>
    %dot_general3A_45 = tpu.matmul %convert_element_type3A_42, %broadcast_in_dim3A_43, %dot_general3A_44 {dimension_numbers = #tpu.dot_dimension_numbers<[1], [0], [0], [1], [0, 0, 1, 1], [], []>, transpose_lhs_hint = false} : vector<16x10000xf32>, vector<10000x1xf32>, vector<16x1xf32> -> vector<16x1xf32>
    %get3A_46 = arith.constant 0 : index
    %get3A_47 = arith.constant 0 : index
    %get3A_48 = vector.load %arg9[%get3A_46, %get3A_47] : memref<64x16xf32, #tpu.memory_space<vmem>>, vector<64x16xf32>
    %dot_general3A_49 = arith.constant dense<0.000000e+00> : vector<16x16xf32>
    %dot_general3A_50 = tpu.matmul %dot_general3A_37, %get3A_48, %dot_general3A_49 {dimension_numbers = #tpu.dot_dimension_numbers<[1], [0], [0], [1], [0, 0, 1, 1], [], []>, transpose_lhs_hint = false} : vector<16x64xf32>, vector<64x16xf32>, vector<16x16xf32> -> vector<16x16xf32>
    %get3A_51 = arith.constant 0 : index
    %get3A_52 = arith.constant 0 : index
    %get3A_53 = vector.load %arg10[%get3A_51, %get3A_52] : memref<1x16xf32, #tpu.memory_space<vmem>>, vector<1x16xf32>
    %mul3A_54 = vector.broadcast %dot_general3A_45 : vector<16x1xf32> to vector<16x16xf32>
    %mul3A_55 = vector.broadcast %get3A_53 : vector<1x16xf32> to vector<16x16xf32>
    %mul3A_56 = arith.mulf %mul3A_54, %mul3A_55 : vector<16x16xf32>
    %add3A_57 = arith.addf %dot_general3A_50, %mul3A_56 : vector<16x16xf32>
    %max3A_58 = arith.constant 1.000000e+00 : f32
    %max3A_59 = vector.broadcast %max3A_58 : f32 to vector<16x1xf32>
    %max3A_60 = arith.maximumf %dot_general3A_45, %max3A_59 : vector<16x1xf32>
    %div3A = vector.broadcast %max3A_60 : vector<16x1xf32> to vector<16x16xf32>
    %div3A_61 = arith.divf %add3A_57, %div3A : vector<16x16xf32>
    %swap3A = arith.constant 0 : index
    %swap3A_62 = arith.constant 0 : index
    %swap3A_63 = vector.load %arg11[%swap3A, %swap3A_62] : memref<16x16xf32, #tpu.memory_space<vmem>>, vector<16x16xf32>
    tpu.vector_store %arg11[%swap3A, %swap3A_62], %div3A_61 {strides = array<i32>} : memref<16x16xf32, #tpu.memory_space<vmem>>, vector<16x16xf32>,
    return
  }
}

</mosaic_0001>

<sc_bundles>
// kernel: kernel.6.cloned.1.call-start
scs
__scs_entry_jumppad:
0x0: {  	(pc) =	sbr.rel $0x88, $3  }
0x1: {  	(tag) =	ssettag $0x0;
	lr =	simm.s32 $0x1  }
0x2: {  	[smem:$0x3F9A] =	sst lr;
	_ =	strace $0xD0000000  }
0x3: {  	_ = 	snop  }
0x4: {  	_ = 	snop  }
0x5: {  	_ = 	snop  }
0x6: {  	_ = 	snop  }
0x7: {  	_ = 	snop  }
__scs_overlays_trampoline_lowered:
0x8: {  	[smem:$0x3FA9] =	sst s0  }
0x9: {  	[smem:$0x3FAA] =	sst s1  }
0xa: {  	[smem:$0x3FAB] =	sst s2  }
0xb: {  	[smem:$0x3FAC] =	sst s3  }
0xc: {  	[smem:$0x3FAD] =	sst s4  }
0xd: {  	[smem:$0x3FAE] =	sst s5  }
0xe: {  	[smem:$0x3FAF] =	sst s6  }
0xf: {  	[smem:$0x3FB0] =	sst s7  }
0x10: {  	[smem:$0x3FB1] =	sst s8  }
0x11: {  	[smem:$0x3FB2] =	sst s9;
	s0 =	simm.s32 @!p0 $0x0  }
0x12: {  	s1 =	sld [smem:$0x3F98];
	s0 =	simm.s32 @p0 $0x1  }
0x13: {  	[smem:$0x3FB3] =	sst s0;
	s0 =	simm.s32 @!p1 $0x0  }
0x14: {  	s2 =	sld [smem:$0x3F97];
	s0 =	simm.s32 @p1 $0x1  }
0x15: {  	[smem:$0x3FB4] =	sst s0;
	s0 =	simm.s32 @!p2 $0x0  }
0x16: {  	s3 =	sld [smem:$0x3FDB];
	s0 =	simm.s32 @p2 $0x1  }
0x17: {  	s4 =	simm.s32 $0x1BF5;
	[smem:$0x3FB6] =	sst s0  }
0x18: {  	s0 =	sld [smem:$0x3F99];
	_ =	swait.ge [sflag:s4], $0x0  }
0x19: {  	s7 =	sld [smem:$0x3F9A]  }
0x1a: {  	s8 =	sadd.s32 $0xFFFFE003, lr  }
0x1b: {  	s9 =	sadd.s32 $0xFFFFFEF7, lr;
	s5 =	simm.s32 $0xFFFFFFFF;
	p2 =	slt.u32 s8, $0xFFFFF086  }
0x1c: {  	p1 =	slt.u32 s9, $0xF7A;
	s5 =	simm.s32 @!p2 $0x0  }
0x1d: {  	s5 =	simm.s32 @p1 $0x1;
	p0 =	seq.s32 s7, s2  }
0x1e: {  	s7 =	smul.u32 @!p0 $0xF7A, s2;
	p2 =	seq.s32 @!p0 s5, $0x0  }
0x1f: {  	s9 =	smul.u32 $0xF7A, s1;
	s8 =	simm.s32 @!p0 $0x1BF5;
	p2 =	por !p2, p0  }
0x20: {  	[sflag:s8] =	ssyncset.s32 @!p0 $0xFFFFF086;
	s6 =	sadd.s32 @!p0 s3, s7;
	s7 =	simm.s32 @!p0 $0x108  }
0x21: {  	s3 =	sadd.s32 s3, s9;
	s6 =	sadd.s32 @!p0 $0x88, s6;
	s7 =	simm.s32 @p2 $0x1082  }
0x22: {  	[simem:s7], [sflag:s8] =	dma.local @!p0 [hbm:s6], $0xF7A  }
0x23: {  	s9 =	sor.u32 $0xD0000000, s2;
	s6 =	simm.s32 $0x108;
	_ =	swait.ge @!p0 [sflag:s8], $0x0  }
0x24: {  	s3 =	sadd.s32 $0x88, s3;
	s6 =	simm.s32 @!p1 $0x1082;
	[sflag:s4] =	ssyncset.s32 $0xFFFFF086  }
0x25: {  	[simem:s6], [sflag:s4] =	dma.local [hbm:s3], $0xF7A  }
0x26: {  	[smem:$0x3F9A] =	sst s1;
	(tag) =	ssettag s2;
	_ =	strace s9  }
0x27: {  	s1 =	sld [smem:$0x3FAA]  }
0x28: {  	s2 =	sld [smem:$0x3FAB]  }
0x29: {  	s4 =	sld [smem:$0x3FAD]  }
0x2a: {  	p0 =	seq.s32 s5, $0x0;
	s5 =	sld [smem:$0x3FAE]  }
0x2b: {  	s6 =	sld [smem:$0x3FAF]  }
0x2c: {  	s7 =	sld [smem:$0x3FB0]  }
0x2d: {  	s3 =	simm.s32 $0x108;
	s8 =	sld [smem:$0x3FB1]  }
0x2e: {  	s3 =	simm.s32 @!p0 $0x1082;
	s9 =	sld [smem:$0x3FB2]  }
0x2f: {  	lr =	sadd.s32 s0, s3;
	s0 =	sld [smem:$0x3FA9]  }
0x30: {  	s3 =	sld [smem:$0x3FAC]  }
0x31: {  	[smem:$0x3FB5] =	sst s10  }
0x32: {  	s10 =	sld [smem:$0x3FB3];
	_ =	sdelay $0x3  }
0x33: {  	p0 =	seq.s32 s10, $0x1;
	s10 =	sld [smem:$0x3FB5];
	_ =	sdelay $0x3  }
0x34: {  	[smem:$0x3FB5] =	sst s10  }
0x35: {  	s10 =	sld [smem:$0x3FB4];
	_ =	sdelay $0x3  }
0x36: {  	p1 =	seq.s32 s10, $0x1;
	s10 =	sld [smem:$0x3FB5];
	_ =	sdelay $0x3  }
0x37: {  	[smem:$0x3FB5] =	sst s10  }
0x38: {  	s10 =	sld [smem:$0x3FB6]  }
0x39: {  	_ = 	snop;
	(pc) =	sbr.ind lr, $3  }
0x3a: {  	_ = 	snop  }
0x3b: {  	_ = 	snop  }
0x3c: {  	p2 =	seq.s32 s10, $0x1;
	s10 =	sld [smem:$0x3FB5]  }
0x3d: {  	_ =	shalt  }
0x3e: {  	_ =	shalt  }
0x3f: {  	_ =	shalt  }
0x40: {  	_ =	shalt  }
0x41: {  	_ =	shalt  }
0x42: {  	_ =	shalt  }
0x43: {  	_ =	shalt  }
0x44: {  	_ =	shalt  }
0x45: {  	_ =	shalt  }
0x46: {  	_ =	shalt  }
0x47: {  	_ =	shalt  }
0x48: {  	_ =	shalt  }
0x49: {  	_ =	shalt  }
0x4a: {  	_ =	shalt  }
0x4b: {  	_ =	shalt  }
0x4c: {  	_ =	shalt  }
0x4d: {  	_ =	shalt  }
0x4e: {  	_ =	shalt  }
0x4f: {  	_ =	shalt  }
0x50: {  	_ =	shalt  }
0x51: {  	_ =	shalt  }
0x52: {  	_ =	shalt  }
0x53: {  	_ =	shalt  }
0x54: {  	_ =	shalt  }
0x55: {  	_ =	shalt  }
0x56: {  	_ =	shalt  }
0x57: {  	_ =	shalt  }
0x58: {  	_ =	shalt  }
0x59: {  	_ =	shalt  }
0x5a: {  	_ =	shalt  }
0x5b: {  	_ =	shalt  }
0x5c: {  	_ =	shalt  }
0x5d: {  	_ =	shalt  }
0x5e: {  	_ =	shalt  }
0x5f: {  	_ =	shalt  }
0x60: {  	_ =	shalt  }
0x61: {  	_ =	shalt  }
0x62: {  	_ =	shalt  }
0x63: {  	_ =	shalt  }
0x64: {  	_ =	shalt  }
0x65: {  	_ =	shalt  }
0x66: {  	_ =	shalt  }
0x67: {  	_ =	shalt  }
0x68: {  	_ =	shalt  }
0x69: {  	_ =	shalt  }
0x6a: {  	_ =	shalt  }
0x6b: {  	_ =	shalt  }
0x6c: {  	_ =	shalt  }
0x6d: {  	_ =	shalt  }
0x6e: {  	_ =	shalt  }
0x6f: {  	_ =	shalt  }
0x70: {  	_ =	shalt  }
0x71: {  	_ =	shalt  }
0x72: {  	_ =	shalt  }
0x73: {  	_ =	shalt  }
0x74: {  	_ =	shalt  }
0x75: {  	_ =	shalt  }
0x76: {  	_ =	shalt  }
0x77: {  	_ =	shalt  }
0x78: {  	_ =	shalt  }
0x79: {  	_ =	shalt  }
0x7a: {  	_ =	shalt  }
0x7b: {  	_ =	shalt  }
0x7c: {  	_ =	shalt  }
0x7d: {  	_ =	shalt  }
0x7e: {  	_ =	shalt  }
0x7f: {  	_ =	shalt  }
0x80: {  	_ =	shalt  }
0x81: {  	_ =	shalt  }
0x82: {  	_ =	shalt  }
0x83: {  	_ =	shalt  }
0x84: {  	_ =	shalt  }
0x85: {  	_ =	shalt  }
0x86: {  	_ =	shalt  }
0x87: {  	_ =	shalt  }
.Lfunc_end0:
.L_simem_size_0:
called_computation_lowered:
.L_overlay_start_0:
0x88: {  	s2 =	sld [smem:$0x3FD9]  }
0x89: {  	s3 =	sld [smem:$0x3FFE];
	_ =	sdelay $0x1  }
0x8a: {  	s1 =	srdreg.scid  }
0x8b: {  	s0 =	sand.u32 $0x1, s1  }
0x8c: {  	s16 =	sshll.u32 s0, $0xA;
	s2 =	sadd.s32 s3, s2  }
0x8d: {  	s2 =	sadd.s32 s2, s16  }
0x8e: {  	[smem:$0x3FC1] =	sst s2  }
0x8f: {  	_ = 	snop  }
0x90: {  	(tm) =	ssettm $0x1  }
0x91: {  	s17 =	sld [smem:$0x3FFB];
	_ =	sdelay $0x3  }
0x92: {  	_ =	strace s17  }
0x93: {  	s2 =	sld [smem:$0x3FFC];
	_ =	sdelay $0x3  }
0x94: {  	_ =	strace s2  }
0x95: {  	s2 =	sld [smem:$0x3FFD];
	_ =	sdelay $0x3  }
0x96: {  	_ =	strace s2  }
0x97: {  	_ =	strace $0x8FFFFFFF  }
0x98: {  	s18 =	sld [smem:$0x3FDB];
	_ =	sdelay $0x1  }
0x99: {  	s19 =	simm.s32 $_scs_section_size  }
0x9a: {  	s4 =	simm.s32 $_size__tile_overlayer_lowered;
	s5 =	simm.s32 $_tile_overlayer_lowered  }
0x9b: {  	s22 =	simm.s32 $0x1BFF;
	s21 =	sshll.u32 s5, $0x1;
	s2 =	sadd.s32 s19, s18  }
0x9c: {  	s6 =	simm.s32 $0x0;
	s20 =	sshll.u32 s4, $0x1;
	s4 =	sadd.s32 s21, s2  }
0x9d: {  	[timem:s6], [sflag:s22] =	dma.local [hbm:s4], s20  }
0x9e: {  	_ =	swait.ge [sflag:s22], s20  }
0x9f: {  	s3 =	ssub.s32 $0x0, s20;
	[sflag:s22] =	ssyncset.done $0x0  }
0xa0: {  	[sflag:s22] =	ssyncadd.s32 s3;
	_ =	sdelay $0x1  }
0xa1: {  	s23 =	simm.s32 $0x1B8B  }
0xa2: {  	_ =	swait.ge [sflag:s23], $0x1  }
0xa3: {  	[sflag:s23] =	ssyncset.done $0x0  }
0xa4: {  	s25 =	simm.s32 $0x1B8E;
	s24 =	sld [smem:$0x3FFE];
	[sflag:s23] =	ssyncadd.s32 $0xFFFFFFFF  }
0xa5: {  	s26 =	simm.s32 $execute0_lowered;
	[smem:$0x3FD2] =	sst s25  }
0xa6: {  	s4 =	sshll.u32 s26, $0x1;
	_ =	strace $0x80000046;
	[dreg:$0x1] =	wrdreg $0xFFFFFFFF  }
0xa7: {  	s28 =	simm.s32 $_size_execute0_lowered;
	s2 =	sadd.s32 s2, s4;
	[dreg:$0x0] =	wrdreg $0x0  }
0xa8: {  	s4 =	sshll.u32 s28, $0x1;
	[dreg:$0x2] =	wrdreg s2  }
0xa9: {  	[dreg:$0x3] =	wrdreg s4  }
0xaa: {  	[dreg:$0x4] =	wrdreg $0xC0  }
0xab: {  	_ =	task [dreg:s6], $0x5FFFF  }
0xac: {  	[dreg:$0x1] =	wrdreg $0xFFFFFFFF  }
0xad: {  	[dreg:$0x0] =	wrdreg $0x60  }
0xae: {  	[dreg:$0x2] =	wrdreg s24  }
0xaf: {  	[dreg:$0x3] =	wrdreg $0x2C000  }
0xb0: {  	[dreg:$0x4] =	wrdreg $0x9  }
0xb1: {  	_ =	task.clear_ibuf [dreg:s6], $0x5FFFF;
	_ =	strace $0x90000046  }
0xb2: {  	s29 =	simm.s32 $0x9;
	_ =	strace $0x80000048  }
0xb3: {  	_ =	swait.ge [sflag:s29], $0x1  }
0xb4: {  	[sflag:s29] =	ssyncadd.s32 $0xFFFFFFFF  }
0xb5: {  	_ =	strace $0x90000048  }
0xb6: {  	_ =	sfence  }
0xb7: {  	s30 =	sld [smem:$0x0];
	_ =	sdelay $0x2  }
0xb8: {  	s31 =	sshll.u32 s1, $0xD;
	s1 =	sshrl.u32 s1, $0x2  }
0xb9: {  	s3 =	sand.u32 $0x4000, s31;
	s1 =	sadd.s32 s1, s30  }
0xba: {  	s0 =	sor.u32 s3, s0;
	s1 =	sshll.u32 s1, $0x11  }
0xbb: {  	s0 =	sor.u32 s1, s0  }
0xbc: {  	s0 =	sadd.s32 $0x8F2B, s0  }
0xbd: {  	[sflag:s0] =	ssyncadd.remote.s32 $0x1  }
0xbe: {  	_ =	sfence.sel $0xFFFF  }
0xbf: {  	[dreg:$0x0] =	wrdreg $0xFFFFFFFF;
	(pc) =	sbr.abs _section_cstart, $3  }
0xc0: {  	[dreg:$0x1] =	wrdreg $0xFFFFFFFF  }
0xc1: {  	_ =	task.clear_ibuf [dreg:s6], $0x2FFFF;
	_ =	strace $0x9FFFFFFF  }
0xc2: {  	(tm) =	ssettm $0x7FFFFFFF  }
0xc3: {  	_ =	shalt  }
tec
execute0_lowered:
.L_overlay_start_1:
0x0: {  	(tag) =	ssettag $0x1  }
0x1: {  	s4 =	rddreg [dreg:$0x0]  }
0x2: {  	s2 =	rddreg [dreg:$0x1]  }
0x3: {  	s1 =	srdreg.scid;
	s0 =	rddreg [dreg:$0x2]  }
0x4: {  	s3 =	simm.s32 $0x0;
	s12 =	simm.s32 $0x1;
	s13 =	simm.s32 $0x2800  }
0x5: {  	s14 =	simm.s32 $0x7D;
	s15 =	simm.s32 $0x4000;
	s5 =	sand.u32 $0x1, s1  }
0x6: {  	s18 =	simm.s32 $0x0;
	s1 =	stileid.u32;
	s7 =	smul.u32 $0x14000, s5  }
0x7: {  	[smem:$0x7FF] =	sst s3;
	s6 =	sshll.u32 s5, $0x4;
	s8 =	smul.u32 $0x1400, s1  }
0x8: {  	_ =	strace $0x80000047;
	s9 =	smul.u32 $0x5000, s1;
	s5 =	ssub.s32 $0x2, s5  }
0x9: {  	s16 =	sshll.u32 s1, $0x6;
	s6 =	sor.u32 s1, s6;
	s31 =	sshrl.u32 s5, $0x1  }
0xa: {  	s16 =	sor.u32 $0x1C01, s16;
	s6 =	smul.u32 $0x500, s6;
	s7 =	sadd.s32 s8, s7  }
0xb: {  	s9 =	sshrl.u32 s9, $0x2;
	s10 =	ssub.s32 s5, s31;
	s17 =	sadd.s32 s8, s2  }
0xc: {  	s7 =	sshrl.u32 s7, $0x3;
	s5 =	sadd.s32 s9, s2;
	s17 =	sshrl.u32 s17, $0x3  }
0xd: {  	s6 =	sadd.s32 s6, s4;
	s7 =	sadd.s32 s7, s4;
	s8 =	sadd.s32 $0x400, s5  }
0xe: {  	s9 =	sadd.s32 $0x800, s5;
	s11 =	sadd.s32 $0x1000, s5;
	s4 =	sadd.s32 $0x1600, s6  }
0xf: {  	v0 =	vimm.f32 $0.0e+00;
	v1 =	vimm.f32 $1.000000000e+00;
	s6 =	sadd.s32 $0xB600, s7;
	s7 =	smax.u32 s10, $0x1;
	s10 =	sadd.s32 $0xC00, s5  }
.LBB2_1:
0x10: {  	[tilespmem:s3], [sflag:$0x1] =	stream.linear.gather [hbm4b:s4+s3], $0x2800, $0x38;
	[tilespmem:$0x43E8] =	vst v63  }
0x11: {  	_ =	swait.ge [sflag:s12], $0x2800  }
0x12: {  	[sflag:s12] =	ssyncset.done $0x0  }
0x13: {  	s19 =	simm.s32 $0x20;
	s20 =	simm.s32 $0x0;
	[sflag:s12] =	ssyncadd.s32 $0xFFFFD800  }
.LBB2_2:
0x14: {  	p0 =	sne.s32 s19, $0xFE0;
	[tilespmem:s20+$0x2800] =	vst v0;
	s20 =	smov.u32 s19;
	s19 =	sadd.s32 $0x20, s19  }
.Ltmp0:
0x15: {  	(pc) =	sbr.rel @p0 .LBB2_2-.Ltmp0, $2  }
0x16: {  	_ =	sdelay $0x2  }
0x17: {  	s20 =	sshra.s32 s20, $0x2  }
0x18: {  	[tilespmem:s20+$0x2800] =	vst v0  }
0x19: {  	[spmem:s5] =	stream.linear.scatter [tilespmem:s13], [sflag:$0x1], $0x400, $0x38;
	[tilespmem:$0x43E8] =	vst v63  }
0x1a: {  	_ =	swait.ge [sflag:s12], $0x400  }
0x1b: {  	[sflag:s12] =	ssyncset.done $0x0  }
0x1c: {  	[sflag:s12] =	ssyncadd.s32 $0xFFFFFC00  }
0x1d: {  	[spmem:s8] =	stream.linear.scatter [tilespmem:s13], [sflag:$0x1], $0x400, $0x38;
	[tilespmem:$0x43E8] =	vst v63  }
0x1e: {  	_ =	swait.ge [sflag:s12], $0x400  }
0x1f: {  	[sflag:s12] =	ssyncset.done $0x0  }
0x20: {  	[sflag:s12] =	ssyncadd.s32 $0xFFFFFC00  }
0x21: {  	[spmem:s9] =	stream.linear.scatter [tilespmem:s13], [sflag:$0x1], $0x400, $0x38;
	[tilespmem:$0x43E8] =	vst v63  }
0x22: {  	_ =	swait.ge [sflag:s12], $0x400  }
0x23: {  	[sflag:s12] =	ssyncset.done $0x0  }
0x24: {  	[sflag:s12] =	ssyncadd.s32 $0xFFFFFC00  }
0x25: {  	[spmem:s10] =	stream.linear.scatter [tilespmem:s13], [sflag:$0x1], $0x400, $0x38;
	[tilespmem:$0x43E8] =	vst v63  }
0x26: {  	_ =	swait.ge [sflag:s12], $0x400  }
0x27: {  	[sflag:s12] =	ssyncset.done $0x0  }
0x28: {  	[sflag:s12] =	ssyncadd.s32 $0xFFFFFC00  }
0x29: {  	[spmem:s11] =	stream.linear.scatter [tilespmem:s13], [sflag:$0x1], $0x400, $0x38;
	[tilespmem:$0x43E8] =	vst v63  }
0x2a: {  	_ =	swait.ge [sflag:s12], $0x400  }
0x2b: {  	[sflag:s12] =	ssyncset.done $0x0  }
0x2c: {  	[sflag:s12] =	ssyncadd.s32 $0xFFFFFC00  }
0x2d: {  	s19 =	simm.s32 $0x20;
	s20 =	simm.s32 $0x0;
	[bflag:$0x0] =	sbarrier.arrive $0xFFFF  }
.LBB2_4:
0x2e: {  	p0 =	sne.s32 s19, $0xF80;
	[tilespmem:s20+$0x4000] =	vst v1;
	s20 =	smov.u32 s19;
	s19 =	sadd.s32 $0x20, s19  }
.Ltmp1:
0x2f: {  	(pc) =	sbr.rel @p0 .LBB2_4-.Ltmp1, $2  }
0x30: {  	_ =	sdelay $0x2  }
0x31: {  	s20 =	sshra.s32 s20, $0x2  }
0x32: {  	[tilespmem:s20+$0x4000] =	vst v1;
	s19 =	simm.s32 $0x0  }
0x33: {  	[spmem:s2] =	stream.indirect.scatter.add.f32 [tilespmem:s15], [sflag:$0x1], $0x8, s19, s14, $0xb8;
	[tilespmem:$0x43E8] =	vst v63  }
0x34: {  	_ =	swait.ge [sflag:s12], $0x3E8  }
0x35: {  	s19 =	simm.s32 $0x200;
	[sflag:s12] =	ssyncset.done $0x0  }
.LBB2_6:
0x36: {  	s20 =	sshra.s32 s19, $0x2;
	[sflag:s12] =	ssyncadd.s32 $0xFFFFFC18;
	p0 =	sne.s32 s19, $0x9E00  }
0x37: {  	[spmem:s2] =	stream.indirect.scatter.add.f32 [tilespmem:s15], [sflag:$0x1], $0x8, s20, s14, $0xb8;
	[tilespmem:$0x43E8] =	vst v63  }
.Ltmp2:
0x38: {  	_ = 	snop;
	(pc) =	sbr.rel @p0 .LBB2_6-.Ltmp2, $4  }
0x39: {  	_ = 	snop  }
0x3a: {  	s19 =	sadd.s32 $0x200, s19  }
0x3b: {  	_ =	swait.ge [sflag:s12], $0x3E8  }
0x3c: {  	[sflag:s12] =	ssyncset.done $0x0  }
0x3d: {  	s18 =	sadd.s32 $0x1, s18  }
0x3e: {  	[sflag:s12] =	ssyncadd.s32 $0xFFFFFC18;
	p0 =	sne.s32 s18, s7  }
.Ltmp3:
0x3f: {  	[bflag:$0x0] =	sbarrier.arrive $0xFFFF;
	(pc) =	sbr.rel @p0 .LBB2_1-.Ltmp3, $4  }
0x40: {  	[hbm:s6], [sflag:s16] =	dma.local [spmem:s17], $0x280  }
0x41: {  	_ =	swait.ge [sflag:s12], $0x280  }
0x42: {  	[sflag:s12] =	ssyncset.done $0x0  }
0x43: {  	[sflag:s12] =	ssyncadd.s32 $0xFFFFFD80  }
0x44: {  	_ =	sfence.sel $0x180000  }
0x45: {  	[bflag:$0x0] =	sbarrier.arrive $0xFFFF  }
0x46: {  	p0 =	sne.s32 s1, $0x0;
	_ =	strace $0x90000047  }
0x47: {  	s0 =	sadd.s32 @!p0 $0x100000, s0;
	[bflag:$0x2] =	sbarrier.arrive $0xFFFF  }
0x48: {  	[sflag:s0] =	ssyncadd.tile.s32 @!p0 $0x1;
	_ =	shalt  }
.Lfunc_end2:
_tile_overlayer_lowered:
.L_overlay_start_2:
0x49: {  	(tag) =	ssettag $0x2  }
0x4a: {  	s0 =	rddreg [dreg:$0x0];
	s2 =	stileid.u32  }
0x4b: {  	s1 =	rddreg [dreg:$0x1];
	p0 =	sne.s32 s2, $0x0  }
0x4c: {  	s3 =	rddreg [dreg:$0x2];
	[bflag:$0x3] =	sbarrier.arrive $0xFFFF;
	s2 =	simm.s32 @!p0 $0x1C01  }
0x4d: {  	[timem:s3], [sflag:s2] =	dma.local @!p0 [hbm:s0], s1  }
0x4e: {  	s0 =	simm.s32 @!p0 $0x1  }
0x4f: {  	_ =	swait.ge @!p0 [sflag:s0], s1  }
0x50: {  	s1 =	ssub.s32 @!p0 $0x0, s1;
	[sflag:s0] =	ssyncset.done @!p0 $0x0  }
0x51: {  	[sflag:s0] =	ssyncadd.s32 @!p0 s1  }
0x52: {  	[bflag:$0x3] =	sbarrier.arrive $0xFFFF  }
0x53: {  	_ =	shalt  }

// kernel: kernel.9.cloned.1.call-start
scs
__scs_entry_jumppad:
0x0: {  	(pc) =	sbr.rel $0x88, $3  }
0x1: {  	(tag) =	ssettag $0x0;
	lr =	simm.s32 $0x1  }
0x2: {  	[smem:$0x3F9A] =	sst lr;
	_ =	strace $0xD0000000  }
0x3: {  	_ = 	snop  }
0x4: {  	_ = 	snop  }
0x5: {  	_ = 	snop  }
0x6: {  	_ = 	snop  }
0x7: {  	_ = 	snop  }
__scs_overlays_trampoline_lowered:
0x8: {  	[smem:$0x3FA9] =	sst s0  }
0x9: {  	[smem:$0x3FAA] =	sst s1  }
0xa: {  	[smem:$0x3FAB] =	sst s2  }
0xb: {  	[smem:$0x3FAC] =	sst s3  }
0xc: {  	[smem:$0x3FAD] =	sst s4  }
0xd: {  	[smem:$0x3FAE] =	sst s5  }
0xe: {  	[smem:$0x3FAF] =	sst s6  }
0xf: {  	[smem:$0x3FB0] =	sst s7  }
0x10: {  	[smem:$0x3FB1] =	sst s8  }
0x11: {  	[smem:$0x3FB2] =	sst s9;
	s0 =	simm.s32 @!p0 $0x0  }
0x12: {  	s1 =	sld [smem:$0x3F98];
	s0 =	simm.s32 @p0 $0x1  }
0x13: {  	[smem:$0x3FB3] =	sst s0;
	s0 =	simm.s32 @!p1 $0x0  }
0x14: {  	s2 =	sld [smem:$0x3F97];
	s0 =	simm.s32 @p1 $0x1  }
0x15: {  	[smem:$0x3FB4] =	sst s0;
	s0 =	simm.s32 @!p2 $0x0  }
0x16: {  	s3 =	sld [smem:$0x3FDB];
	s0 =	simm.s32 @p2 $0x1  }
0x17: {  	s4 =	simm.s32 $0x1BF5;
	[smem:$0x3FB6] =	sst s0  }
0x18: {  	s0 =	sld [smem:$0x3F99];
	_ =	swait.ge [sflag:s4], $0x0  }
0x19: {  	s7 =	sld [smem:$0x3F9A]  }
0x1a: {  	s8 =	sadd.s32 $0xFFFFE003, lr  }
0x1b: {  	s9 =	sadd.s32 $0xFFFFFEF7, lr;
	s5 =	simm.s32 $0xFFFFFFFF;
	p2 =	slt.u32 s8, $0xFFFFF086  }
0x1c: {  	p1 =	slt.u32 s9, $0xF7A;
	s5 =	simm.s32 @!p2 $0x0  }
0x1d: {  	s5 =	simm.s32 @p1 $0x1;
	p0 =	seq.s32 s7, s2  }
0x1e: {  	s7 =	smul.u32 @!p0 $0xF7A, s2;
	p2 =	seq.s32 @!p0 s5, $0x0  }
0x1f: {  	s9 =	smul.u32 $0xF7A, s1;
	s8 =	simm.s32 @!p0 $0x1BF5;
	p2 =	por !p2, p0  }
0x20: {  	[sflag:s8] =	ssyncset.s32 @!p0 $0xFFFFF086;
	s6 =	sadd.s32 @!p0 s3, s7;
	s7 =	simm.s32 @!p0 $0x108  }
0x21: {  	s3 =	sadd.s32 s3, s9;
	s6 =	sadd.s32 @!p0 $0x88, s6;
	s7 =	simm.s32 @p2 $0x1082  }
0x22: {  	[simem:s7], [sflag:s8] =	dma.local @!p0 [hbm:s6], $0xF7A  }
0x23: {  	s9 =	sor.u32 $0xD0000000, s2;
	s6 =	simm.s32 $0x108;
	_ =	swait.ge @!p0 [sflag:s8], $0x0  }
0x24: {  	s3 =	sadd.s32 $0x88, s3;
	s6 =	simm.s32 @!p1 $0x1082;
	[sflag:s4] =	ssyncset.s32 $0xFFFFF086  }
0x25: {  	[simem:s6], [sflag:s4] =	dma.local [hbm:s3], $0xF7A  }
0x26: {  	[smem:$0x3F9A] =	sst s1;
	(tag) =	ssettag s2;
	_ =	strace s9  }
0x27: {  	s1 =	sld [smem:$0x3FAA]  }
0x28: {  	s2 =	sld [smem:$0x3FAB]  }
0x29: {  	s4 =	sld [smem:$0x3FAD]  }
0x2a: {  	p0 =	seq.s32 s5, $0x0;
	s5 =	sld [smem:$0x3FAE]  }
0x2b: {  	s6 =	sld [smem:$0x3FAF]  }
0x2c: {  	s7 =	sld [smem:$0x3FB0]  }
0x2d: {  	s3 =	simm.s32 $0x108;
	s8 =	sld [smem:$0x3FB1]  }
0x2e: {  	s3 =	simm.s32 @!p0 $0x1082;
	s9 =	sld [smem:$0x3FB2]  }
0x2f: {  	lr =	sadd.s32 s0, s3;
	s0 =	sld [smem:$0x3FA9]  }
0x30: {  	s3 =	sld [smem:$0x3FAC]  }
0x31: {  	[smem:$0x3FB5] =	sst s10  }
0x32: {  	s10 =	sld [smem:$0x3FB3];
	_ =	sdelay $0x3  }
0x33: {  	p0 =	seq.s32 s10, $0x1;
	s10 =	sld [smem:$0x3FB5];
	_ =	sdelay $0x3  }
0x34: {  	[smem:$0x3FB5] =	sst s10  }
0x35: {  	s10 =	sld [smem:$0x3FB4];
	_ =	sdelay $0x3  }
0x36: {  	p1 =	seq.s32 s10, $0x1;
	s10 =	sld [smem:$0x3FB5];
	_ =	sdelay $0x3  }
0x37: {  	[smem:$0x3FB5] =	sst s10  }
0x38: {  	s10 =	sld [smem:$0x3FB6]  }
0x39: {  	_ = 	snop;
	(pc) =	sbr.ind lr, $3  }
0x3a: {  	_ = 	snop  }
0x3b: {  	_ = 	snop  }
0x3c: {  	p2 =	seq.s32 s10, $0x1;
	s10 =	sld [smem:$0x3FB5]  }
0x3d: {  	_ =	shalt  }
0x3e: {  	_ =	shalt  }
0x3f: {  	_ =	shalt  }
0x40: {  	_ =	shalt  }
0x41: {  	_ =	shalt  }
0x42: {  	_ =	shalt  }
0x43: {  	_ =	shalt  }
0x44: {  	_ =	shalt  }
0x45: {  	_ =	shalt  }
0x46: {  	_ =	shalt  }
0x47: {  	_ =	shalt  }
0x48: {  	_ =	shalt  }
0x49: {  	_ =	shalt  }
0x4a: {  	_ =	shalt  }
0x4b: {  	_ =	shalt  }
0x4c: {  	_ =	shalt  }
0x4d: {  	_ =	shalt  }
0x4e: {  	_ =	shalt  }
0x4f: {  	_ =	shalt  }
0x50: {  	_ =	shalt  }
0x51: {  	_ =	shalt  }
0x52: {  	_ =	shalt  }
0x53: {  	_ =	shalt  }
0x54: {  	_ =	shalt  }
0x55: {  	_ =	shalt  }
0x56: {  	_ =	shalt  }
0x57: {  	_ =	shalt  }
0x58: {  	_ =	shalt  }
0x59: {  	_ =	shalt  }
0x5a: {  	_ =	shalt  }
0x5b: {  	_ =	shalt  }
0x5c: {  	_ =	shalt  }
0x5d: {  	_ =	shalt  }
0x5e: {  	_ =	shalt  }
0x5f: {  	_ =	shalt  }
0x60: {  	_ =	shalt  }
0x61: {  	_ =	shalt  }
0x62: {  	_ =	shalt  }
0x63: {  	_ =	shalt  }
0x64: {  	_ =	shalt  }
0x65: {  	_ =	shalt  }
0x66: {  	_ =	shalt  }
0x67: {  	_ =	shalt  }
0x68: {  	_ =	shalt  }
0x69: {  	_ =	shalt  }
0x6a: {  	_ =	shalt  }
0x6b: {  	_ =	shalt  }
0x6c: {  	_ =	shalt  }
0x6d: {  	_ =	shalt  }
0x6e: {  	_ =	shalt  }
0x6f: {  	_ =	shalt  }
0x70: {  	_ =	shalt  }
0x71: {  	_ =	shalt  }
0x72: {  	_ =	shalt  }
0x73: {  	_ =	shalt  }
0x74: {  	_ =	shalt  }
0x75: {  	_ =	shalt  }
0x76: {  	_ =	shalt  }
0x77: {  	_ =	shalt  }
0x78: {  	_ =	shalt  }
0x79: {  	_ =	shalt  }
0x7a: {  	_ =	shalt  }
0x7b: {  	_ =	shalt  }
0x7c: {  	_ =	shalt  }
0x7d: {  	_ =	shalt  }
0x7e: {  	_ =	shalt  }
0x7f: {  	_ =	shalt  }
0x80: {  	_ =	shalt  }
0x81: {  	_ =	shalt  }
0x82: {  	_ =	shalt  }
0x83: {  	_ =	shalt  }
0x84: {  	_ =	shalt  }
0x85: {  	_ =	shalt  }
0x86: {  	_ =	shalt  }
0x87: {  	_ =	shalt  }
.Lfunc_end0:
.L_simem_size_0:
called_computation.1_lowered:
.L_overlay_start_0:
0x88: {  	s2 =	sld [smem:$0x3FD9]  }
0x89: {  	s3 =	sld [smem:$0x3FFE];
	_ =	sdelay $0x1  }
0x8a: {  	s1 =	srdreg.scid  }
0x8b: {  	s0 =	sand.u32 $0x1, s1  }
0x8c: {  	s16 =	sshll.u32 s0, $0xA;
	s2 =	sadd.s32 s3, s2  }
0x8d: {  	s2 =	sadd.s32 s2, s16  }
0x8e: {  	[smem:$0x3FC1] =	sst s2  }
0x8f: {  	_ = 	snop  }
0x90: {  	(tm) =	ssettm $0x1  }
0x91: {  	s17 =	sld [smem:$0x3FFB];
	_ =	sdelay $0x3  }
0x92: {  	_ =	strace s17  }
0x93: {  	s2 =	sld [smem:$0x3FFC];
	_ =	sdelay $0x3  }
0x94: {  	_ =	strace s2  }
0x95: {  	s2 =	sld [smem:$0x3FFD];
	_ =	sdelay $0x3  }
0x96: {  	_ =	strace s2  }
0x97: {  	_ =	strace $0x8FFFFFFF  }
0x98: {  	s18 =	sld [smem:$0x3FDB];
	_ =	sdelay $0x1  }
0x99: {  	s19 =	simm.s32 $_scs_section_size  }
0x9a: {  	s4 =	simm.s32 $_size__tile_overlayer_lowered;
	s5 =	simm.s32 $_tile_overlayer_lowered  }
0x9b: {  	s22 =	simm.s32 $0x1BFF;
	s21 =	sshll.u32 s5, $0x1;
	s2 =	sadd.s32 s19, s18  }
0x9c: {  	s6 =	simm.s32 $0x0;
	s20 =	sshll.u32 s4, $0x1;
	s4 =	sadd.s32 s21, s2  }
0x9d: {  	[timem:s6], [sflag:s22] =	dma.local [hbm:s4], s20  }
0x9e: {  	_ =	swait.ge [sflag:s22], s20  }
0x9f: {  	s3 =	ssub.s32 $0x0, s20;
	[sflag:s22] =	ssyncset.done $0x0  }
0xa0: {  	[sflag:s22] =	ssyncadd.s32 s3;
	_ =	sdelay $0x1  }
0xa1: {  	s23 =	simm.s32 $0x1B8B  }
0xa2: {  	_ =	swait.ge [sflag:s23], $0x1  }
0xa3: {  	[sflag:s23] =	ssyncset.done $0x0  }
0xa4: {  	s25 =	simm.s32 $0x1B8E;
	s24 =	sld [smem:$0x3FFE];
	[sflag:s23] =	ssyncadd.s32 $0xFFFFFFFF  }
0xa5: {  	s26 =	simm.s32 $execute0_lowered;
	[smem:$0x3FD2] =	sst s25  }
0xa6: {  	s4 =	sshll.u32 s26, $0x1;
	_ =	strace $0x80000049;
	[dreg:$0x1] =	wrdreg $0xFFFFFFFF  }
0xa7: {  	s28 =	simm.s32 $_size_execute0_lowered;
	s2 =	sadd.s32 s2, s4;
	[dreg:$0x0] =	wrdreg $0x0  }
0xa8: {  	s4 =	sshll.u32 s28, $0x1;
	[dreg:$0x2] =	wrdreg s2  }
0xa9: {  	[dreg:$0x3] =	wrdreg s4  }
0xaa: {  	[dreg:$0x4] =	wrdreg $0xC0  }
0xab: {  	_ =	task [dreg:s6], $0x5FFFF  }
0xac: {  	[dreg:$0x1] =	wrdreg $0xFFFFFFFF  }
0xad: {  	[dreg:$0x0] =	wrdreg $0x60  }
0xae: {  	[dreg:$0x2] =	wrdreg s24  }
0xaf: {  	[dreg:$0x3] =	wrdreg $0x78000  }
0xb0: {  	[dreg:$0x4] =	wrdreg $0x118000  }
0xb1: {  	[dreg:$0x5] =	wrdreg $0x9  }
0xb2: {  	_ =	task.clear_ibuf [dreg:s6], $0x6FFFF;
	_ =	strace $0x90000049  }
0xb3: {  	s29 =	simm.s32 $0x9;
	_ =	strace $0x8000004B  }
0xb4: {  	_ =	swait.ge [sflag:s29], $0x1  }
0xb5: {  	[sflag:s29] =	ssyncadd.s32 $0xFFFFFFFF  }
0xb6: {  	_ =	strace $0x9000004B  }
0xb7: {  	_ =	sfence  }
0xb8: {  	s30 =	sld [smem:$0x0];
	_ =	sdelay $0x2  }
0xb9: {  	s31 =	sshll.u32 s1, $0xD;
	s1 =	sshrl.u32 s1, $0x2  }
0xba: {  	s3 =	sand.u32 $0x4000, s31;
	s1 =	sadd.s32 s1, s30  }
0xbb: {  	s0 =	sor.u32 s3, s0;
	s1 =	sshll.u32 s1, $0x11  }
0xbc: {  	s0 =	sor.u32 s1, s0  }
0xbd: {  	s0 =	sadd.s32 $0x8F2B, s0  }
0xbe: {  	[sflag:s0] =	ssyncadd.remote.s32 $0x1  }
0xbf: {  	_ =	sfence.sel $0xFFFF  }
0xc0: {  	[dreg:$0x0] =	wrdreg $0xFFFFFFFF;
	(pc) =	sbr.abs _section_cstart, $3  }
0xc1: {  	[dreg:$0x1] =	wrdreg $0xFFFFFFFF  }
0xc2: {  	_ =	task.clear_ibuf [dreg:s6], $0x2FFFF;
	_ =	strace $0x9FFFFFFF  }
0xc3: {  	(tm) =	ssettm $0x7FFFFFFF  }
tec
execute0_lowered:
.L_overlay_start_1:
0x0: {  	(tag) =	ssettag $0x1  }
0x1: {  	s4 =	rddreg [dreg:$0x0]  }
0x2: {  	s0 =	srdreg.scid;
	s2 =	rddreg [dreg:$0x1]  }
0x3: {  	s11 =	stileid.u32;
	s3 =	rddreg [dreg:$0x2];
	s5 =	simm.s32 $0x0  }
0x4: {  	s29 =	simm.s32 $0x7D;
	s28 =	simm.s32 $0x1BD00;
	s7 =	smul.u32 $0xA000, s11  }
0x5: {  	s0 =	sand.u32 $0x1, s0;
	[smem:$0x7FF] =	sst s5;
	s10 =	smul.u32 $0x2800, s11  }
0x6: {  	s5 =	sadd.s32 $0x10600, s4;
	s6 =	sadd.s32 $0xB600, s4;
	s8 =	smul.u32 $0xA0000, s0  }
0x7: {  	s1 =	sshll.u32 s0, $0x4;
	s9 =	smul.u32 $0x28000, s0;
	_ =	strace $0x8000004A  }
0x8: {  	s0 =	ssub.s32 $0x2, s0;
	s1 =	sor.u32 s11, s1;
	s11 =	smul.u32 $0x28000, s11  }
0x9: {  	s31 =	sshrl.u32 s0, $0x1;
	s14 =	sshrl.u32 s7, $0x2;
	s17 =	sadd.s32 s7, s2  }
0xa: {  	s18 =	sadd.s32 s10, s3;
	s1 =	smul.u32 $0x500, s1;
	s8 =	sadd.s32 s7, s8  }
0xb: {  	s9 =	sadd.s32 s10, s9;
	s0 =	ssub.s32 s0, s31;
	s15 =	sadd.s32 s14, s3  }
0xc: {  	s30 =	sshrl.u32 s17, $0x3;
	s31 =	sshrl.u32 s18, $0x3;
	[dreg:$0x7] =	wrdreg s15  }
0xd: {  	s7 =	simm.s32 $0x1CCA0;
	s14 =	simm.s32 $0x2;
	[dreg:$0x13] =	wrdreg s30  }
0xe: {  	s8 =	sshrl.u32 s8, $0x3;
	s0 =	smax.u32 s0, $0x1;
	[dreg:$0x14] =	wrdreg s31  }
0xf: {  	s9 =	sshrl.u32 s9, $0x3;
	s23 =	sadd.s32 $0x800, s15;
	[dreg:$0xa] =	wrdreg s0  }
0x10: {  	s13 =	sshrl.u32 s11, $0x2;
	s24 =	sadd.s32 $0x1000, s15;
	[dreg:$0xf] =	wrdreg s23  }
0x11: {  	s25 =	sadd.s32 $0x1800, s15;
	s26 =	sadd.s32 $0x2000, s15;
	[dreg:$0x10] =	wrdreg s24  }
0x12: {  	s1 =	sadd.s32 s1, s4;
	s8 =	sadd.s32 s8, s4;
	[dreg:$0x11] =	wrdreg s25  }
0x13: {  	s4 =	sadd.s32 s9, s4;
	s9 =	sadd.s32 s13, s2;
	[dreg:$0x12] =	wrdreg s26  }
0x14: {  	s17 =	simm.s32 $0x4;
	s12 =	sadd.s32 $0x37800, s1;
	[dreg:$0x6] =	wrdreg s9  }
0x15: {  	s18 =	simm.s32 $0x8;
	s1 =	sadd.s32 $0x1600, s1;
	[dreg:$0x4] =	wrdreg s12  }
0x16: {  	s10 =	simm.s32 $0x0;
	s16 =	sadd.s32 $0x41800, s8;
	[dreg:$0x5] =	wrdreg s1  }
0x17: {  	s11 =	simm.s32 $0x1D470;
	s4 =	sadd.s32 $0x24000, s4;
	[dreg:$0x8] =	wrdreg s16  }
0x18: {  	s15 =	simm.s32 $0x6;
	s19 =	sadd.s32 $0x2000, s9;
	[dreg:$0x9] =	wrdreg s4  }
0x19: {  	s26 =	simm.s32 $0x14000;
	s20 =	sadd.s32 $0x4000, s9;
	[dreg:$0xb] =	wrdreg s19  }
0x1a: {  	s0 =	simm.s32 $0x1C4D0;
	s21 =	sadd.s32 $0x6000, s9;
	[dreg:$0xc] =	wrdreg s20  }
0x1b: {  	s13 =	simm.s32 $0x5;
	s22 =	sadd.s32 $0x8000, s9;
	[dreg:$0xd] =	wrdreg s21  }
0x1c: {  	s23 =	simm.s32 $0x3;
	s8 =	simm.s32 $0x19DC0;
	[dreg:$0xe] =	wrdreg s22  }
0x1d: {  	s22 =	simm.s32 $0x9;
	s19 =	simm.s32 $0x2800;
	s1 =	simm.s32 $0x15F40  }
0x1e: {  	v0 =	vimm.f32 $0.0e+00;
	s4 =	simm.s32 $0x17E80;
	s12 =	simm.s32 $0x1;
	s16 =	simm.s32 $0x7  }
.LBB2_1:
0x1f: {  	[dreg:$0x15] =	wrdreg s10  }
0x20: {  	s9 =	simm.s32 $0x0;
	s30 =	rddreg [dreg:$0x4]  }
0x21: {  	[tilespmem:s9], [sflag:$0x9] =	stream.linear.gather [hbm4b:s30+s9], $0x2800, $0x38;
	[tilespmem:$0x1DC40] =	vst v63  }
0x22: {  	_ =	swait.ge [sflag:s22], $0x2800  }
0x23: {  	[sflag:s22] =	ssyncset.done $0x0  }
0x24: {  	s31 =	rddreg [dreg:$0x5];
	[sflag:s22] =	ssyncadd.s32 $0xFFFFD800  }
0x25: {  	[tilespmem:s19], [sflag:$0x9] =	stream.linear.gather [hbm4b:s31+s9], $0x2800, $0x38;
	[tilespmem:$0x1DC40] =	vst v63  }
0x26: {  	_ =	swait.ge [sflag:s22], $0x2800  }
0x27: {  	[sflag:s22] =	ssyncset.done $0x0  }
0x28: {  	s10 =	simm.s32 $0x100;
	s9 =	simm.s32 $0x0;
	[sflag:s22] =	ssyncadd.s32 $0xFFFFD800  }
.LBB2_2:
0x29: {  	p0 =	sne.s32 s10, $0x7F00;
	[tilespmem:s9+$0x5030] =	vst v0;
	s20 =	smov.u32 s10;
	s10 =	sadd.s32 $0x100, s10  }
.Ltmp0:
0x2a: {  	[tilespmem:s9+$0x5020] =	vst v0;
	(pc) =	sbr.rel @p0 .LBB2_2-.Ltmp0, $3  }
0x2b: {  	[tilespmem:s9+$0x5000] =	vst v0  }
0x2c: {  	[tilespmem:s9+$0x5010] =	vst v0;
	_ =	sdelay $0x1  }
0x2d: {  	s9 =	sshra.s32 s20, $0x2  }
0x2e: {  	[tilespmem:s9+$0x5030] =	vst v0  }
0x2f: {  	[tilespmem:s9+$0x5020] =	vst v0  }
0x30: {  	[tilespmem:s9+$0x5000] =	vst v0  }
0x31: {  	[tilespmem:s9+$0x5010] =	vst v0;
	s21 =	rddreg [dreg:$0x6];
	s10 =	simm.s32 $0x5000  }
0x32: {  	[spmem:s21] =	stream.linear.scatter [tilespmem:s10], [sflag:$0x9], $0x2000, $0x38;
	[tilespmem:$0x1DC40] =	vst v63  }
0x33: {  	_ =	swait.ge [sflag:s22], $0x2000  }
0x34: {  	[sflag:s22] =	ssyncset.done $0x0  }
0x35: {  	s24 =	rddreg [dreg:$0xb];
	[sflag:s22] =	ssyncadd.s32 $0xFFFFE000  }
0x36: {  	[spmem:s24] =	stream.linear.scatter [tilespmem:s10], [sflag:$0x9], $0x2000, $0x38;
	[tilespmem:$0x1DC40] =	vst v63  }
0x37: {  	_ =	swait.ge [sflag:s22], $0x2000  }
0x38: {  	[sflag:s22] =	ssyncset.done $0x0  }
0x39: {  	s25 =	rddreg [dreg:$0xc];
	[sflag:s22] =	ssyncadd.s32 $0xFFFFE000  }
0x3a: {  	[spmem:s25] =	stream.linear.scatter [tilespmem:s10], [sflag:$0x9], $0x2000, $0x38;
	[tilespmem:$0x1DC40] =	vst v63  }
0x3b: {  	_ =	swait.ge [sflag:s22], $0x2000  }
0x3c: {  	[sflag:s22] =	ssyncset.done $0x0  }
0x3d: {  	s30 =	rddreg [dreg:$0xd];
	[sflag:s22] =	ssyncadd.s32 $0xFFFFE000  }
0x3e: {  	[spmem:s30] =	stream.linear.scatter [tilespmem:s10], [sflag:$0x9], $0x2000, $0x38;
	[tilespmem:$0x1DC40] =	vst v63  }
0x3f: {  	_ =	swait.ge [sflag:s22], $0x2000  }
0x40: {  	[sflag:s22] =	ssyncset.done $0x0  }
0x41: {  	s31 =	rddreg [dreg:$0xe];
	[sflag:s22] =	ssyncadd.s32 $0xFFFFE000  }
0x42: {  	[spmem:s31] =	stream.linear.scatter [tilespmem:s10], [sflag:$0x9], $0x2000, $0x38;
	[tilespmem:$0x1DC40] =	vst v63  }
0x43: {  	_ =	swait.ge [sflag:s22], $0x2000  }
0x44: {  	[sflag:s22] =	ssyncset.done $0x0  }
0x45: {  	s9 =	simm.s32 $0x40;
	s10 =	simm.s32 $0x0;
	[sflag:s22] =	ssyncadd.s32 $0xFFFFE000  }
.LBB2_4:
0x46: {  	p0 =	sne.s32 s9, $0x1FC0;
	[tilespmem:s10+$0x7000] =	vst v0;
	s10 =	smov.u32 s9;
	s9 =	sadd.s32 $0x40, s9  }
.Ltmp1:
0x47: {  	(pc) =	sbr.rel @p0 .LBB2_4-.Ltmp1, $2  }
0x48: {  	_ =	sdelay $0x2  }
0x49: {  	s10 =	sshra.s32 s10, $0x2  }
0x4a: {  	[tilespmem:s10+$0x7000] =	vst v0;
	s9 =	rddreg [dreg:$0x7];
	s25 =	simm.s32 $0x7000  }
0x4b: {  	[spmem:s9] =	stream.linear.scatter [tilespmem:s25], [sflag:$0x9], $0x800, $0x38;
	[tilespmem:$0x1DC40] =	vst v63  }
0x4c: {  	_ =	swait.ge [sflag:s22], $0x800  }
0x4d: {  	[sflag:s22] =	ssyncset.done $0x0  }
0x4e: {  	s30 =	rddreg [dreg:$0xf];
	[sflag:s22] =	ssyncadd.s32 $0xFFFFF800  }
0x4f: {  	[spmem:s30] =	stream.linear.scatter [tilespmem:s25], [sflag:$0x9], $0x800, $0x38;
	[tilespmem:$0x1DC40] =	vst v63  }
0x50: {  	_ =	swait.ge [sflag:s22], $0x800  }
0x51: {  	[sflag:s22] =	ssyncset.done $0x0  }
0x52: {  	s31 =	rddreg [dreg:$0x10];
	[sflag:s22] =	ssyncadd.s32 $0xFFFFF800  }
0x53: {  	[spmem:s31] =	stream.linear.scatter [tilespmem:s25], [sflag:$0x9], $0x800, $0x38;
	[tilespmem:$0x1DC40] =	vst v63  }
0x54: {  	_ =	swait.ge [sflag:s22], $0x800  }
0x55: {  	[sflag:s22] =	ssyncset.done $0x0  }
0x56: {  	s20 =	rddreg [dreg:$0x11];
	[sflag:s22] =	ssyncadd.s32 $0xFFFFF800  }
0x57: {  	[spmem:s20] =	stream.linear.scatter [tilespmem:s25], [sflag:$0x9], $0x800, $0x38;
	[tilespmem:$0x1DC40] =	vst v63  }
0x58: {  	_ =	swait.ge [sflag:s22], $0x800  }
0x59: {  	[sflag:s22] =	ssyncset.done $0x0  }
0x5a: {  	s21 =	rddreg [dreg:$0x12];
	[sflag:s22] =	ssyncadd.s32 $0xFFFFF800  }
0x5b: {  	[spmem:s21] =	stream.linear.scatter [tilespmem:s25], [sflag:$0x9], $0x800, $0x38;
	[tilespmem:$0x1DC40] =	vst v63  }
0x5c: {  	_ =	swait.ge [sflag:s22], $0x800  }
0x5d: {  	[sflag:s22] =	ssyncset.done $0x0  }
0x5e: {  	[sflag:s22] =	ssyncadd.s32 $0xFFFFF800  }
0x5f: {  	s24 =	simm.s32 $0x0;
	[bflag:$0x0] =	sbarrier.arrive $0xFFFF  }
0x60: {  	[tilespmem:s26], [sflag:$0x1] =	stream.indirect.gather [hbm4b:s5+s29], $0x40, s24, s29, $0xb8;
	[tilespmem:$0x1DC40] =	vst v63  }
0x61: {  	_ = 	snop  }
0x62: {  	[tilespmem:s28], [sflag:$0x5] =	stream.indirect.gather [hbm4b:s6+s29], $0x10, s19, s29, $0xb8;
	[tilespmem:$0x1DC40] =	vst v63  }
0x63: {  	s25 =	simm.s32 $0x80  }
0x64: {  	[tilespmem:s1], [sflag:$0x2] =	stream.indirect.gather [hbm4b:s5+s29], $0x40, s25, s29, $0xb8;
	[tilespmem:$0x1DC40] =	vst v63  }
0x65: {  	s30 =	simm.s32 $0x2880  }
0x66: {  	[tilespmem:s0], [sflag:$0x6] =	stream.indirect.gather [hbm4b:s6+s29], $0x10, s30, s29, $0xb8;
	[tilespmem:$0x1DC40] =	vst v63  }
0x67: {  	s31 =	simm.s32 $0x100  }
0x68: {  	[tilespmem:s4], [sflag:$0x3] =	stream.indirect.gather [hbm4b:s5+s29], $0x40, s31, s29, $0xb8;
	[tilespmem:$0x1DC40] =	vst v63  }
0x69: {  	s10 =	simm.s32 $0x2900  }
0x6a: {  	[tilespmem:s7], [sflag:$0x7] =	stream.indirect.gather [hbm4b:s6+s29], $0x10, s10, s29, $0xb8;
	[tilespmem:$0x1DC40] =	vst v63  }
0x6b: {  	s9 =	simm.s32 $0x180  }
0x6c: {  	[tilespmem:s8], [sflag:$0x4] =	stream.indirect.gather [hbm4b:s5+s29], $0x40, s9, s29, $0xb8;
	[tilespmem:$0x1DC40] =	vst v63  }
0x6d: {  	s10 =	simm.s32 $0x2980  }
0x6e: {  	[tilespmem:s11], [sflag:$0x8] =	stream.indirect.gather [hbm4b:s6+s29], $0x10, s10, s29, $0xb8;
	[tilespmem:$0x1DC40] =	vst v63  }
0x6f: {  	_ =	swait.ge [sflag:s12], $0x1F40  }
0x70: {  	[sflag:s12] =	ssyncset.done $0x0  }
0x71: {  	s20 =	simm.s32 $0x2800;
	[sflag:s12] =	ssyncadd.s32 $0xFFFFE0C0  }
0x72: {  	[spmem:s2] =	stream.indirect.scatter.add.f32 [tilespmem:s26], [sflag:$0x9], $0x40, s20, s29, $0xb8;
	[tilespmem:$0x1DC40] =	vst v63  }
0x73: {  	_ =	swait.ge [sflag:s22], $0x1F40  }
0x74: {  	[sflag:s22] =	ssyncset.done $0x0  }
0x75: {  	[sflag:s22] =	ssyncadd.s32 $0xFFFFE0C0  }
0x76: {  	_ =	swait.ge [sflag:s13], $0x7D0  }
0x77: {  	[sflag:s13] =	ssyncset.done $0x0  }
0x78: {  	s19 =	simm.s32 $0x0;
	[sflag:s13] =	ssyncadd.s32 $0xFFFFF830  }
0x79: {  	[spmem:s3] =	stream.indirect.scatter.add.f32 [tilespmem:s28], [sflag:$0x9], $0x10, s19, s29, $0xb8;
	[tilespmem:$0x1DC40] =	vst v63  }
0x7a: {  	p0 =	por $0x0, $0x0;
	_ =	swait.ge [sflag:s22], $0x7D0  }
0x7b: {  	s21 =	simm.s32 @!p0 $0x200;
	[sflag:s22] =	ssyncset.done $0x0  }
0x7c: {  	s24 =	simm.s32 @!p0 $0x7D;
	s20 =	simm.s32 @!p0 $0x14000;
	[sflag:s22] =	ssyncadd.s32 $0xFFFFF830  }
0x7d: {  	[tilespmem:s20], [sflag:$0x1] =	stream.indirect.gather @!p0 [hbm4b:s5+s24], $0x40, s21, s24, $0xb8;
	[tilespmem:$0x1DC40] =	vst v63  }
0x7e: {  	s20 =	simm.s32 @!p0 $0x2A00;
	s21 =	simm.s32 @!p0 $0x1BD00  }
0x7f: {  	[tilespmem:s21], [sflag:$0x5] =	stream.indirect.gather @!p0 [hbm4b:s6+s24], $0x10, s20, s24, $0xb8;
	[tilespmem:$0x1DC40] =	vst v63  }
0x80: {  	_ =	swait.ge [sflag:s14], $0x1F40  }
0x81: {  	[sflag:s14] =	ssyncset.done $0x0  }
0x82: {  	s21 =	simm.s32 $0x2880;
	[sflag:s14] =	ssyncadd.s32 $0xFFFFE0C0  }
0x83: {  	[spmem:s2] =	stream.indirect.scatter.add.f32 [tilespmem:s1], [sflag:$0x9], $0x40, s21, s29, $0xb8;
	[tilespmem:$0x1DC40] =	vst v63  }
0x84: {  	_ =	swait.ge [sflag:s22], $0x1F40  }
0x85: {  	[sflag:s22] =	ssyncset.done $0x0  }
0x86: {  	[sflag:s22] =	ssyncadd.s32 $0xFFFFE0C0  }
0x87: {  	_ =	swait.ge [sflag:s15], $0x7D0  }
0x88: {  	[sflag:s15] =	ssyncset.done $0x0  }
0x89: {  	s25 =	simm.s32 $0x80;
	[sflag:s15] =	ssyncadd.s32 $0xFFFFF830  }
0x8a: {  	[spmem:s3] =	stream.indirect.scatter.add.f32 [tilespmem:s0], [sflag:$0x9], $0x10, s25, s29, $0xb8;
	[tilespmem:$0x1DC40] =	vst v63  }
0x8b: {  	_ =	swait.ge [sflag:s22], $0x7D0  }
0x8c: {  	[sflag:s22] =	ssyncset.done $0x0  }
0x8d: {  	s20 =	simm.s32 @!p0 $0x280;
	s21 =	simm.s32 @!p0 $0x15F40;
	[sflag:s22] =	ssyncadd.s32 $0xFFFFF830  }
0x8e: {  	[tilespmem:s21], [sflag:$0x2] =	stream.indirect.gather @!p0 [hbm4b:s5+s24], $0x40, s20, s24, $0xb8;
	[tilespmem:$0x1DC40] =	vst v63  }
0x8f: {  	s20 =	simm.s32 @!p0 $0x2A80;
	s21 =	simm.s32 @!p0 $0x1C4D0  }
0x90: {  	[tilespmem:s21], [sflag:$0x6] =	stream.indirect.gather @!p0 [hbm4b:s6+s24], $0x10, s20, s24, $0xb8;
	[tilespmem:$0x1DC40] =	vst v63  }
0x91: {  	_ =	swait.ge [sflag:s23], $0x1F40  }
0x92: {  	[sflag:s23] =	ssyncset.done $0x0  }
0x93: {  	s30 =	simm.s32 $0x2900;
	[sflag:s23] =	ssyncadd.s32 $0xFFFFE0C0  }
0x94: {  	[spmem:s2] =	stream.indirect.scatter.add.f32 [tilespmem:s4], [sflag:$0x9], $0x40, s30, s29, $0xb8;
	[tilespmem:$0x1DC40] =	vst v63  }
0x95: {  	_ =	swait.ge [sflag:s22], $0x1F40  }
0x96: {  	[sflag:s22] =	ssyncset.done $0x0  }
0x97: {  	[sflag:s22] =	ssyncadd.s32 $0xFFFFE0C0  }
0x98: {  	_ =	swait.ge [sflag:s16], $0x7D0  }
0x99: {  	[sflag:s16] =	ssyncset.done $0x0  }
0x9a: {  	s31 =	simm.s32 $0x100;
	[sflag:s16] =	ssyncadd.s32 $0xFFFFF830  }
0x9b: {  	[spmem:s3] =	stream.indirect.scatter.add.f32 [tilespmem:s7], [sflag:$0x9], $0x10, s31, s29, $0xb8;
	[tilespmem:$0x1DC40] =	vst v63  }
0x9c: {  	_ =	swait.ge [sflag:s22], $0x7D0  }
0x9d: {  	[sflag:s22] =	ssyncset.done $0x0  }
0x9e: {  	s20 =	simm.s32 @!p0 $0x300;
	s21 =	simm.s32 @!p0 $0x17E80;
	[sflag:s22] =	ssyncadd.s32 $0xFFFFF830  }
0x9f: {  	[tilespmem:s21], [sflag:$0x3] =	stream.indirect.gather @!p0 [hbm4b:s5+s24], $0x40, s20, s24, $0xb8;
	[tilespmem:$0x1DC40] =	vst v63  }
0xa0: {  	s20 =	simm.s32 @!p0 $0x2B00;
	s21 =	simm.s32 @!p0 $0x1CCA0  }
0xa1: {  	[tilespmem:s21], [sflag:$0x7] =	stream.indirect.gather @!p0 [hbm4b:s6+s24], $0x10, s20, s24, $0xb8;
	[tilespmem:$0x1DC40] =	vst v63  }
0xa2: {  	_ =	swait.ge [sflag:s17], $0x1F40  }
0xa3: {  	[sflag:s17] =	ssyncset.done $0x0  }
0xa4: {  	[sflag:s17] =	ssyncadd.s32 $0xFFFFE0C0  }
0xa5: {  	[spmem:s2] =	stream.indirect.scatter.add.f32 [tilespmem:s8], [sflag:$0x9], $0x40, s10, s29, $0xb8;
	[tilespmem:$0x1DC40] =	vst v63  }
0xa6: {  	_ =	swait.ge [sflag:s22], $0x1F40  }
0xa7: {  	[sflag:s22] =	ssyncset.done $0x0  }
0xa8: {  	[sflag:s22] =	ssyncadd.s32 $0xFFFFE0C0  }
0xa9: {  	_ =	swait.ge [sflag:s18], $0x7D0  }
0xaa: {  	[sflag:s18] =	ssyncset.done $0x0  }
0xab: {  	[sflag:s18] =	ssyncadd.s32 $0xFFFFF830  }
0xac: {  	[spmem:s3] =	stream.indirect.scatter.add.f32 [tilespmem:s11], [sflag:$0x9], $0x10, s9, s29, $0xb8;
	[tilespmem:$0x1DC40] =	vst v63  }
0xad: {  	s21 =	simm.s32 $0x800;
	_ =	swait.ge [sflag:s22], $0x7D0  }
0xae: {  	s24 =	simm.s32 $0x1000;
	s20 =	simm.s32 $0x200;
	[sflag:s22] =	ssyncset.done $0x0  }
.LBB2_6:
0xaf: {  	s25 =	sadd.s32 $0x180, s20  }
0xb0: {  	[sflag:s22] =	ssyncadd.s32 $0xFFFFF830;
	s19 =	smov.u32 s24;
	s24 =	sadd.s32 $0x800, s24  }
0xb1: {  	[tilespmem:s8], [sflag:$0x4] =	stream.indirect.gather [hbm4b:s5+s29], $0x40, s25, s29, $0xb8;
	[tilespmem:$0x1DC40] =	vst v63  }
0xb2: {  	s9 =	sadd.s32 $0x2980, s20;
	p0 =	sne.s32 s24, $0xA000  }
0xb3: {  	[tilespmem:s11], [sflag:$0x8] =	stream.indirect.gather [hbm4b:s6+s29], $0x10, s9, s29, $0xb8;
	[tilespmem:$0x1DC40] =	vst v63  }
0xb4: {  	_ =	swait.ge [sflag:s12], $0x1F40  }
0xb5: {  	[sflag:s12] =	ssyncset.done $0x0  }
0xb6: {  	s10 =	sadd.s32 $0x2800, s20;
	[sflag:s12] =	ssyncadd.s32 $0xFFFFE0C0  }
0xb7: {  	[spmem:s2] =	stream.indirect.scatter.add.f32 [tilespmem:s26], [sflag:$0x9], $0x40, s10, s29, $0xb8;
	[tilespmem:$0x1DC40] =	vst v63  }
0xb8: {  	_ =	swait.ge [sflag:s22], $0x1F40  }
0xb9: {  	[sflag:s22] =	ssyncset.done $0x0  }
0xba: {  	[sflag:s22] =	ssyncadd.s32 $0xFFFFE0C0  }
0xbb: {  	_ =	swait.ge [sflag:s13], $0x7D0  }
0xbc: {  	[sflag:s13] =	ssyncset.done $0x0  }
0xbd: {  	[sflag:s13] =	ssyncadd.s32 $0xFFFFF830  }
0xbe: {  	[spmem:s3] =	stream.indirect.scatter.add.f32 [tilespmem:s28], [sflag:$0x9], $0x10, s20, s29, $0xb8;
	[tilespmem:$0x1DC40] =	vst v63  }
0xbf: {  	p1 =	seq.s32 s21, $0x9800;
	_ =	swait.ge [sflag:s22], $0x7D0  }
0xc0: {  	s21 =	sshra.s32 @!p1 s21, $0x2;
	s26 =	simm.s32 @!p1 $0x14000;
	[sflag:s22] =	ssyncset.done $0x0  }
0xc1: {  	s10 =	simm.s32 @!p1 $0x7D;
	s28 =	sadd.s32 @!p1 $0x200, s21;
	[sflag:s22] =	ssyncadd.s32 $0xFFFFF830  }
0xc2: {  	[tilespmem:s26], [sflag:$0x1] =	stream.indirect.gather @!p1 [hbm4b:s5+s10], $0x40, s28, s10, $0xb8;
	[tilespmem:$0x1DC40] =	vst v63  }
0xc3: {  	s30 =	sadd.s32 @!p1 $0x280, s21;
	s26 =	sadd.s32 @!p1 $0x2A00, s21;
	s28 =	simm.s32 @!p1 $0x1BD00  }
0xc4: {  	[tilespmem:s28], [sflag:$0x5] =	stream.indirect.gather @!p1 [hbm4b:s6+s10], $0x10, s26, s10, $0xb8;
	[tilespmem:$0x1DC40] =	vst v63  }
0xc5: {  	s31 =	sadd.s32 @!p1 $0x2A80, s21;
	s28 =	sadd.s32 @!p1 $0x300, s21;
	_ =	swait.ge [sflag:s14], $0x1F40  }
0xc6: {  	s26 =	sadd.s32 @!p1 $0x2B00, s21;
	s21 =	smov.u32 s19;
	[sflag:s14] =	ssyncset.done $0x0  }
0xc7: {  	s19 =	sadd.s32 $0x2880, s20;
	[sflag:s14] =	ssyncadd.s32 $0xFFFFE0C0  }
0xc8: {  	[spmem:s2] =	stream.indirect.scatter.add.f32 [tilespmem:s1], [sflag:$0x9], $0x40, s19, s29, $0xb8;
	[tilespmem:$0x1DC40] =	vst v63  }
0xc9: {  	_ =	swait.ge [sflag:s22], $0x1F40  }
0xca: {  	[sflag:s22] =	ssyncset.done $0x0  }
0xcb: {  	[sflag:s22] =	ssyncadd.s32 $0xFFFFE0C0  }
0xcc: {  	_ =	swait.ge [sflag:s15], $0x7D0  }
0xcd: {  	[sflag:s15] =	ssyncset.done $0x0  }
0xce: {  	s19 =	sadd.s32 $0x80, s20;
	[sflag:s15] =	ssyncadd.s32 $0xFFFFF830  }
0xcf: {  	[spmem:s3] =	stream.indirect.scatter.add.f32 [tilespmem:s0], [sflag:$0x9], $0x10, s19, s29, $0xb8;
	[tilespmem:$0x1DC40] =	vst v63  }
0xd0: {  	_ =	swait.ge [sflag:s22], $0x7D0  }
0xd1: {  	[sflag:s22] =	ssyncset.done $0x0  }
0xd2: {  	s19 =	simm.s32 @!p1 $0x15F40;
	[sflag:s22] =	ssyncadd.s32 $0xFFFFF830  }
0xd3: {  	[tilespmem:s19], [sflag:$0x2] =	stream.indirect.gather @!p1 [hbm4b:s5+s10], $0x40, s30, s10, $0xb8;
	[tilespmem:$0x1DC40] =	vst v63  }
0xd4: {  	s19 =	simm.s32 @!p1 $0x1C4D0  }
0xd5: {  	[tilespmem:s19], [sflag:$0x6] =	stream.indirect.gather @!p1 [hbm4b:s6+s10], $0x10, s31, s10, $0xb8;
	[tilespmem:$0x1DC40] =	vst v63  }
0xd6: {  	_ =	swait.ge [sflag:s23], $0x1F40  }
0xd7: {  	[sflag:s23] =	ssyncset.done $0x0  }
0xd8: {  	s19 =	sadd.s32 $0x2900, s20;
	[sflag:s23] =	ssyncadd.s32 $0xFFFFE0C0  }
0xd9: {  	[spmem:s2] =	stream.indirect.scatter.add.f32 [tilespmem:s4], [sflag:$0x9], $0x40, s19, s29, $0xb8;
	[tilespmem:$0x1DC40] =	vst v63  }
0xda: {  	_ =	swait.ge [sflag:s22], $0x1F40  }
0xdb: {  	[sflag:s22] =	ssyncset.done $0x0  }
0xdc: {  	[sflag:s22] =	ssyncadd.s32 $0xFFFFE0C0  }
0xdd: {  	_ =	swait.ge [sflag:s16], $0x7D0  }
0xde: {  	[sflag:s16] =	ssyncset.done $0x0  }
0xdf: {  	s19 =	sadd.s32 $0x100, s20;
	[sflag:s16] =	ssyncadd.s32 $0xFFFFF830  }
0xe0: {  	[spmem:s3] =	stream.indirect.scatter.add.f32 [tilespmem:s7], [sflag:$0x9], $0x10, s19, s29, $0xb8;
	[tilespmem:$0x1DC40] =	vst v63  }
0xe1: {  	_ =	swait.ge [sflag:s22], $0x7D0  }
0xe2: {  	[sflag:s22] =	ssyncset.done $0x0  }
0xe3: {  	s19 =	simm.s32 @!p1 $0x17E80;
	[sflag:s22] =	ssyncadd.s32 $0xFFFFF830  }
0xe4: {  	[tilespmem:s19], [sflag:$0x3] =	stream.indirect.gather @!p1 [hbm4b:s5+s10], $0x40, s28, s10, $0xb8;
	[tilespmem:$0x1DC40] =	vst v63  }
0xe5: {  	s28 =	simm.s32 $0x1BD00  }
0xe6: {  	s19 =	simm.s32 @!p1 $0x1CCA0  }
0xe7: {  	[tilespmem:s19], [sflag:$0x7] =	stream.indirect.gather @!p1 [hbm4b:s6+s10], $0x10, s26, s10, $0xb8;
	[tilespmem:$0x1DC40] =	vst v63  }
0xe8: {  	s26 =	simm.s32 $0x14000  }
0xe9: {  	_ =	swait.ge [sflag:s17], $0x1F40  }
0xea: {  	[sflag:s17] =	ssyncset.done $0x0  }
0xeb: {  	[sflag:s17] =	ssyncadd.s32 $0xFFFFE0C0  }
0xec: {  	[spmem:s2] =	stream.indirect.scatter.add.f32 [tilespmem:s8], [sflag:$0x9], $0x40, s9, s29, $0xb8;
	[tilespmem:$0x1DC40] =	vst v63  }
0xed: {  	_ =	swait.ge [sflag:s22], $0x1F40  }
0xee: {  	[sflag:s22] =	ssyncset.done $0x0  }
0xef: {  	[sflag:s22] =	ssyncadd.s32 $0xFFFFE0C0  }
0xf0: {  	_ =	swait.ge [sflag:s18], $0x7D0  }
.Ltmp2:
0xf1: {  	[sflag:s18] =	ssyncset.done $0x0;
	(pc) =	sbr.rel @p0 .LBB2_6-.Ltmp2, $4  }
0xf2: {  	[sflag:s18] =	ssyncadd.s32 $0xFFFFF830  }
0xf3: {  	[spmem:s3] =	stream.indirect.scatter.add.f32 [tilespmem:s11], [sflag:$0x9], $0x10, s25, s29, $0xb8;
	[tilespmem:$0x1DC40] =	vst v63  }
0xf4: {  	_ =	swait.ge [sflag:s22], $0x7D0  }
0xf5: {  	s20 =	sshra.s32 s21, $0x2;
	[sflag:s22] =	ssyncset.done $0x0  }
0xf6: {  	s9 =	sadd.s32 $0x180, s20;
	[sflag:s22] =	ssyncadd.s32 $0xFFFFF830  }
0xf7: {  	[tilespmem:s8], [sflag:$0x4] =	stream.indirect.gather [hbm4b:s5+s29], $0x40, s9, s29, $0xb8;
	[tilespmem:$0x1DC40] =	vst v63  }
0xf8: {  	s10 =	sadd.s32 $0x2980, s20  }
0xf9: {  	[tilespmem:s11], [sflag:$0x8] =	stream.indirect.gather [hbm4b:s6+s29], $0x10, s10, s29, $0xb8;
	[tilespmem:$0x1DC40] =	vst v63  }
0xfa: {  	_ =	swait.ge [sflag:s12], $0x1F40  }
0xfb: {  	[sflag:s12] =	ssyncset.done $0x0  }
0xfc: {  	s19 =	sadd.s32 $0x2800, s20;
	[sflag:s12] =	ssyncadd.s32 $0xFFFFE0C0  }
0xfd: {  	[spmem:s2] =	stream.indirect.scatter.add.f32 [tilespmem:s26], [sflag:$0x9], $0x40, s19, s29, $0xb8;
	[tilespmem:$0x1DC40] =	vst v63  }
0xfe: {  	_ =	swait.ge [sflag:s22], $0x1F40  }
0xff: {  	[sflag:s22] =	ssyncset.done $0x0  }
0x100: {  	[sflag:s22] =	ssyncadd.s32 $0xFFFFE0C0  }
0x101: {  	_ =	swait.ge [sflag:s13], $0x7D0  }
0x102: {  	[sflag:s13] =	ssyncset.done $0x0  }
0x103: {  	[sflag:s13] =	ssyncadd.s32 $0xFFFFF830  }
0x104: {  	[spmem:s3] =	stream.indirect.scatter.add.f32 [tilespmem:s28], [sflag:$0x9], $0x10, s20, s29, $0xb8;
	[tilespmem:$0x1DC40] =	vst v63  }
0x105: {  	p0 =	seq.s32 s21, $0x9800;
	_ =	swait.ge [sflag:s22], $0x7D0  }
0x106: {  	s25 =	simm.s32 @!p0 $0x7D;
	s19 =	sshra.s32 @!p0 s21, $0x2;
	[sflag:s22] =	ssyncset.done $0x0  }
0x107: {  	s21 =	simm.s32 @!p0 $0x14000;
	s24 =	sadd.s32 @!p0 $0x200, s19;
	[sflag:s22] =	ssyncadd.s32 $0xFFFFF830  }
0x108: {  	[tilespmem:s21], [sflag:$0x1] =	stream.indirect.gather @!p0 [hbm4b:s5+s25], $0x40, s24, s25, $0xb8;
	[tilespmem:$0x1DC40] =	vst v63  }
0x109: {  	s21 =	sadd.s32 @!p0 $0x2A00, s19;
	s24 =	simm.s32 @!p0 $0x1BD00  }
0x10a: {  	[tilespmem:s24], [sflag:$0x5] =	stream.indirect.gather @!p0 [hbm4b:s6+s25], $0x10, s21, s25, $0xb8;
	[tilespmem:$0x1DC40] =	vst v63  }
0x10b: {  	_ =	swait.ge [sflag:s14], $0x1F40  }
0x10c: {  	[sflag:s14] =	ssyncset.done $0x0  }
0x10d: {  	s31 =	sadd.s32 $0x2880, s20;
	[sflag:s14] =	ssyncadd.s32 $0xFFFFE0C0  }
0x10e: {  	[spmem:s2] =	stream.indirect.scatter.add.f32 [tilespmem:s1], [sflag:$0x9], $0x40, s31, s29, $0xb8;
	[tilespmem:$0x1DC40] =	vst v63  }
0x10f: {  	_ =	swait.ge [sflag:s22], $0x1F40  }
0x110: {  	[sflag:s22] =	ssyncset.done $0x0  }
0x111: {  	[sflag:s22] =	ssyncadd.s32 $0xFFFFE0C0  }
0x112: {  	_ =	swait.ge [sflag:s15], $0x7D0  }
0x113: {  	[sflag:s15] =	ssyncset.done $0x0  }
0x114: {  	s24 =	sadd.s32 $0x80, s20;
	[sflag:s15] =	ssyncadd.s32 $0xFFFFF830  }
0x115: {  	[spmem:s3] =	stream.indirect.scatter.add.f32 [tilespmem:s0], [sflag:$0x9], $0x10, s24, s29, $0xb8;
	[tilespmem:$0x1DC40] =	vst v63  }
0x116: {  	_ =	swait.ge [sflag:s22], $0x7D0  }
0x117: {  	[sflag:s22] =	ssyncset.done $0x0  }
0x118: {  	s21 =	sadd.s32 @!p0 $0x280, s19;
	s24 =	simm.s32 @!p0 $0x15F40;
	[sflag:s22] =	ssyncadd.s32 $0xFFFFF830  }
0x119: {  	[tilespmem:s24], [sflag:$0x2] =	stream.indirect.gather @!p0 [hbm4b:s5+s25], $0x40, s21, s25, $0xb8;
	[tilespmem:$0x1DC40] =	vst v63  }
0x11a: {  	s21 =	sadd.s32 @!p0 $0x2A80, s19;
	s24 =	simm.s32 @!p0 $0x1C4D0  }
0x11b: {  	[tilespmem:s24], [sflag:$0x6] =	stream.indirect.gather @!p0 [hbm4b:s6+s25], $0x10, s21, s25, $0xb8;
	[tilespmem:$0x1DC40] =	vst v63  }
0x11c: {  	_ =	swait.ge [sflag:s23], $0x1F40  }
0x11d: {  	[sflag:s23] =	ssyncset.done $0x0  }
0x11e: {  	s30 =	sadd.s32 $0x2900, s20;
	[sflag:s23] =	ssyncadd.s32 $0xFFFFE0C0  }
0x11f: {  	[spmem:s2] =	stream.indirect.scatter.add.f32 [tilespmem:s4], [sflag:$0x9], $0x40, s30, s29, $0xb8;
	[tilespmem:$0x1DC40] =	vst v63  }
0x120: {  	_ =	swait.ge [sflag:s22], $0x1F40  }
0x121: {  	[sflag:s22] =	ssyncset.done $0x0  }
0x122: {  	[sflag:s22] =	ssyncadd.s32 $0xFFFFE0C0  }
0x123: {  	_ =	swait.ge [sflag:s16], $0x7D0  }
0x124: {  	[sflag:s16] =	ssyncset.done $0x0  }
0x125: {  	s31 =	sadd.s32 $0x100, s20;
	[sflag:s16] =	ssyncadd.s32 $0xFFFFF830  }
0x126: {  	[spmem:s3] =	stream.indirect.scatter.add.f32 [tilespmem:s7], [sflag:$0x9], $0x10, s31, s29, $0xb8;
	[tilespmem:$0x1DC40] =	vst v63  }
0x127: {  	_ =	swait.ge [sflag:s22], $0x7D0  }
0x128: {  	[sflag:s22] =	ssyncset.done $0x0  }
0x129: {  	s20 =	sadd.s32 @!p0 $0x300, s19;
	s21 =	simm.s32 @!p0 $0x17E80;
	[sflag:s22] =	ssyncadd.s32 $0xFFFFF830  }
0x12a: {  	[tilespmem:s21], [sflag:$0x3] =	stream.indirect.gather @!p0 [hbm4b:s5+s25], $0x40, s20, s25, $0xb8;
	[tilespmem:$0x1DC40] =	vst v63  }
0x12b: {  	s19 =	sadd.s32 @!p0 $0x2B00, s19;
	s20 =	simm.s32 @!p0 $0x1CCA0  }
0x12c: {  	[tilespmem:s20], [sflag:$0x7] =	stream.indirect.gather @!p0 [hbm4b:s6+s25], $0x10, s19, s25, $0xb8;
	[tilespmem:$0x1DC40] =	vst v63  }
0x12d: {  	_ =	swait.ge [sflag:s17], $0x1F40  }
0x12e: {  	[sflag:s17] =	ssyncset.done $0x0  }
0x12f: {  	[sflag:s17] =	ssyncadd.s32 $0xFFFFE0C0  }
0x130: {  	[spmem:s2] =	stream.indirect.scatter.add.f32 [tilespmem:s8], [sflag:$0x9], $0x40, s10, s29, $0xb8;
	[tilespmem:$0x1DC40] =	vst v63  }
0x131: {  	_ =	swait.ge [sflag:s22], $0x1F40  }
0x132: {  	[sflag:s22] =	ssyncset.done $0x0  }
0x133: {  	[sflag:s22] =	ssyncadd.s32 $0xFFFFE0C0  }
0x134: {  	_ =	swait.ge [sflag:s18], $0x7D0  }
0x135: {  	[sflag:s18] =	ssyncset.done $0x0  }
0x136: {  	[sflag:s18] =	ssyncadd.s32 $0xFFFFF830  }
0x137: {  	[spmem:s3] =	stream.indirect.scatter.add.f32 [tilespmem:s11], [sflag:$0x9], $0x10, s9, s29, $0xb8;
	[tilespmem:$0x1DC40] =	vst v63  }
0x138: {  	_ =	swait.ge [sflag:s22], $0x7D0  }
0x139: {  	[sflag:s22] =	ssyncset.done $0x0  }
0x13a: {  	[sflag:s22] =	ssyncadd.s32 $0xFFFFF830  }
0x13b: {  	s19 =	stileid.u32;
	[bflag:$0x0] =	sbarrier.arrive $0xFFFF  }
0x13c: {  	s9 =	sshll.u32 s19, $0x6;
	s20 =	rddreg [dreg:$0x8]  }
0x13d: {  	s9 =	sor.u32 $0x1C09, s9;
	s21 =	rddreg [dreg:$0x13]  }
0x13e: {  	[hbm:s20], [sflag:s9] =	dma.local [spmem:s21], $0x1400  }
0x13f: {  	_ =	swait.ge [sflag:s22], $0x1400  }
0x140: {  	[sflag:s22] =	ssyncset.done $0x0;
	s24 =	rddreg [dreg:$0x9]  }
0x141: {  	s25 =	rddreg [dreg:$0x14];
	[sflag:s22] =	ssyncadd.s32 $0xFFFFEC00  }
0x142: {  	[hbm:s24], [sflag:s9] =	dma.local [spmem:s25], $0x500  }
0x143: {  	_ =	swait.ge [sflag:s22], $0x500  }
0x144: {  	s30 =	rddreg [dreg:$0x15]  }
0x145: {  	s31 =	rddreg [dreg:$0xa];
	s10 =	sadd.s32 $0x1, s30  }
0x146: {  	p0 =	sne.s32 s10, s31  }
.Ltmp3:
0x147: {  	_ = 	snop;
	(pc) =	sbr.rel @p0 .LBB2_1-.Ltmp3, $3  }
0x148: {  	_ =	sdelay $0x1  }
0x149: {  	[sflag:s22] =	ssyncset.done $0x0  }
0x14a: {  	s19 =	simm.s32 $0x2800;
	[sflag:s22] =	ssyncadd.s32 $0xFFFFFB00  }
0x14b: {  	_ =	sfence.sel $0x180000  }
0x14c: {  	[bflag:$0x0] =	sbarrier.arrive $0xFFFF  }
0x14d: {  	_ =	strace $0x9000004A  }
0x14e: {  	s0 =	stileid.u32;
	[bflag:$0x2] =	sbarrier.arrive $0xFFFF  }
0x14f: {  	p0 =	sne.s32 s0, $0x0;
	s0 =	rddreg [dreg:$0x3]  }
0x150: {  	s0 =	sadd.s32 @!p0 $0x100000, s0  }
0x151: {  	[sflag:s0] =	ssyncadd.tile.s32 @!p0 $0x1;
	_ =	shalt  }
.Lfunc_end2:
_tile_overlayer_lowered:
.L_overlay_start_2:
0x152: {  	(tag) =	ssettag $0x2  }
0x153: {  	s0 =	rddreg [dreg:$0x0];
	s2 =	stileid.u32  }
0x154: {  	s1 =	rddreg [dreg:$0x1];
	p0 =	sne.s32 s2, $0x0  }
0x155: {  	s3 =	rddreg [dreg:$0x2];
	[bflag:$0x3] =	sbarrier.arrive $0xFFFF;
	s2 =	simm.s32 @!p0 $0x1C09  }
0x156: {  	[timem:s3], [sflag:s2] =	dma.local @!p0 [hbm:s0], s1  }
0x157: {  	s0 =	simm.s32 @!p0 $0x9  }
0x158: {  	_ =	swait.ge @!p0 [sflag:s0], s1  }
0x159: {  	s1 =	ssub.s32 @!p0 $0x0, s1;
	[sflag:s0] =	ssyncset.done @!p0 $0x0  }
0x15a: {  	[sflag:s0] =	ssyncadd.s32 @!p0 s1  }
0x15b: {  	[bflag:$0x3] =	sbarrier.arrive $0xFFFF  }
0x15c: {  	_ =	shalt  }

</sc_bundles>
